<compile_context>
chip_gen: v7x
topology: tpu7x:2x2x1
jax: 0.10.2.dev20260603
libtpu: 0.0.44.dev20260713+nightly
codegen_flags: <defaults>
</compile_context>

<pallas_src>
import functools

import jax
import jax.numpy as jnp
from jax import lax
from jax.experimental import pallas as pl
from jax.experimental.pallas import tpu as pltpu
from jax.experimental.pallas import tpu_sc as plsc

N = 10000
E = 320000
D = 128
NCLS = 40

NP = 10240
NCORES = 2
NSUB = 16
NW = NCORES * NSUB
CH = 128

CHUNKS = 2560
EP = CHUNKS * CH
S0 = 80
S1 = 80
C0TOT = NSUB * S0
SMAX = max(S0, S1)
DSTEPS = CHUNKS // NW
EPT = DSTEPS * CH

DR = 2 * NP
NSTRIPE = NP // NSUB

RB = 512
GRID = NP // RB
DBLK = 1024
GROUPS = CH // 16


def _sc_mesh():
    return plsc.VectorSubcoreMesh(core_axis_name="c", subcore_axis_name="s")


def _degree_sc(src_p, dst_p, zcnt):
    @functools.partial(
        pl.kernel,
        out_type=jax.ShapeDtypeStruct((NCORES, NSUB, DR), jnp.float32),
        mesh=_sc_mesh(),
        scratch_types=[
            pltpu.VMEM((CH,), jnp.int32),
            pltpu.VMEM((CH,), jnp.int32),
            pltpu.VMEM((DR,), jnp.float32),
        ],
        compiler_params=pltpu.CompilerParams(needs_layout_passes=False),
    )
    def k(src_hbm, dst_hbm, zcnt_hbm, out_hbm, sidx_v, didx_v, cnt_v):
        c = lax.axis_index("c")
        s = lax.axis_index("s")
        wid = c * NSUB + s
        pltpu.sync_copy(zcnt_hbm, cnt_v)
        ones = jnp.full((16,), 1.0, jnp.float32)
        npoff = jnp.full((16,), NP, jnp.int32)

        def body(step, carry):
            base = wid * EPT + step * CH
            pltpu.sync_copy(src_hbm.at[pl.ds(base, CH)], sidx_v)
            pltpu.sync_copy(dst_hbm.at[pl.ds(base, CH)], didx_v)
            for g in range(GROUPS):
                iv = sidx_v[pl.ds(g * 16, 16)]
                plsc.addupdate_scatter(cnt_v, [iv], ones)
                jv = didx_v[pl.ds(g * 16, 16)] + npoff
                plsc.addupdate_scatter(cnt_v, [jv], ones)
            return carry

        lax.fori_loop(0, DSTEPS, body, 0)
        pltpu.sync_copy(cnt_v, out_hbm.at[c, s])

    return k(src_p, dst_p, zcnt)


def _aggregate_sc(table, src_p, dst_p, zagg):
    @functools.partial(
        pl.kernel,
        out_type=jax.ShapeDtypeStruct((NCORES, NP, D), jnp.float32),
        mesh=_sc_mesh(),
        scratch_types=[
            pltpu.VMEM((SMAX, CH), jnp.int32),
            pltpu.VMEM((SMAX, CH), jnp.int32),
            pltpu.VMEM((CH, D), jnp.float32),
            pltpu.VMEM_SHARED((NP, D), jnp.float32),
        ],
    )
    def k(table_hbm, src_hbm, dst_hbm, zagg_hbm, out_hbm,
          sidx_v, didx_v, rows_v, agg_sh):
        c = lax.axis_index("c")
        s = lax.axis_index("s")
        bc = jnp.where(c == 0, s * S0, C0TOT + s * S1)
        nchunks = jnp.where(c == 0, S0, S1)
        pltpu.sync_copy(src_hbm.at[pl.ds(bc, SMAX)], sidx_v)
        pltpu.sync_copy(dst_hbm.at[pl.ds(bc, SMAX)], didx_v)
        pltpu.sync_copy(zagg_hbm, agg_sh.at[pl.ds(s * NSTRIPE, NSTRIPE)])
        plsc.subcore_barrier()

        def body(j, carry):
            pltpu.sync_copy(table_hbm.at[sidx_v.at[j]], rows_v)
            pltpu.sync_copy(rows_v, agg_sh.at[didx_v.at[j]], add=True)
            return carry

        lax.fori_loop(0, nchunks, body, 0)
        plsc.subcore_barrier()
        pltpu.sync_copy(
            agg_sh.at[pl.ds(s * NSTRIPE, NSTRIPE)],
            out_hbm.at[c, pl.ds(s * NSTRIPE, NSTRIPE)],
        )

    return k(table, src_p, dst_p, zagg)


def _norms_tc(degparts):
    def body(deg_ref, out_ref):
        d = jnp.sum(deg_ref[...], axis=0, keepdims=True)
        out_ref[...] = lax.rsqrt(jnp.maximum(d, 1.0))

    return pl.pallas_call(
        body,
        grid=(DR // DBLK,),
        in_specs=[pl.BlockSpec((NW, DBLK), lambda i: (0, i))],
        out_specs=pl.BlockSpec((1, DBLK), lambda i: (0, i)),
        out_shape=jax.ShapeDtypeStruct((1, DR), jnp.float32),
    )(degparts)


def _prep_tc(featp, ns_col):
    def body(feat_ref, ns_ref, out_ref):
        out_ref[...] = feat_ref[...] * ns_ref[...]

    return pl.pallas_call(
        body,
        grid=(GRID,),
        in_specs=[
            pl.BlockSpec((RB, D), lambda i: (i, 0)),
            pl.BlockSpec((RB, 1), lambda i: (i, 0)),
        ],
        out_specs=pl.BlockSpec((RB, D), lambda i: (i, 0)),
        out_shape=jax.ShapeDtypeStruct((NP, D), jnp.float32),
    )(featp, ns_col)


def _layer_tc(aggparts, nd_col, ns_col, W, b, relu, want_h, want_table):
    def body(agg_ref, nd_ref, ns_ref, w_ref, b_ref, *out_refs):
        agg = agg_ref[0] + agg_ref[1]
        z = jnp.dot(agg * nd_ref[...], w_ref[...],
                    preferred_element_type=jnp.float32)
        z = z + b_ref[...]
        if relu:
            z = jnp.maximum(z, 0.0)
        o = 0
        if want_h:
            out_refs[o][...] = z
            o += 1
        if want_table:
            out_refs[o][...] = z * ns_ref[...]

    out_specs = []
    out_shape = []
    for flag in (want_h, want_table):
        if flag:
            out_specs.append(pl.BlockSpec((RB, D), lambda i: (i, 0)))
            out_shape.append(jax.ShapeDtypeStruct((NP, D), jnp.float32))

    return pl.pallas_call(
        body,
        grid=(GRID,),
        in_specs=[
            pl.BlockSpec((NCORES, RB, D), lambda i: (0, i, 0)),
            pl.BlockSpec((RB, 1), lambda i: (i, 0)),
            pl.BlockSpec((RB, 1), lambda i: (i, 0)),
            pl.BlockSpec((D, D), lambda i: (0, 0)),
            pl.BlockSpec((1, D), lambda i: (0, 0)),
        ],
        out_specs=out_specs,
        out_shape=out_shape,
    )(aggparts, nd_col, ns_col, W, b)


def kernel(feat, edge_index, W0, b0, W1, b1, W2, b2):
    src = edge_index[0]
    dst = edge_index[1]

    pad_e = jnp.full((EP - E,), N, dtype=jnp.int32)
    src_p = jnp.concatenate([src, pad_e])
    dst_p = jnp.concatenate([dst, pad_e])
    featp = jnp.pad(feat, ((0, NP - N), (0, 0)))
    zcnt = jnp.zeros((DR,), jnp.float32)
    zagg = jnp.zeros((NSTRIPE, D), jnp.float32)
    W2p = jnp.pad(W2, ((0, 0), (0, D - NCLS)))
    b0r = b0.reshape(1, D)
    b1r = b1.reshape(1, D)
    b2r = jnp.pad(b2, (0, D - NCLS)).reshape(1, D)

    src_r = src_p.reshape(CHUNKS, CH)
    dst_r = dst_p.reshape(CHUNKS, CH)

    degparts = _degree_sc(src_p, dst_p, zcnt).reshape(NW, DR)
    norms = _norms_tc(degparts).reshape(DR)
    ns_col = norms[0:NP].reshape(NP, 1)
    nd_col = norms[NP:2 * NP].reshape(NP, 1)

    table0 = _prep_tc(featp, ns_col)
    agg0 = _aggregate_sc(table0, src_r, dst_r, zagg)
    (table1,) = _layer_tc(agg0, nd_col, ns_col, W0, b0r,
                          relu=True, want_h=False, want_table=True)

    agg1 = _aggregate_sc(table1, src_r, dst_r, zagg)
    h1, table2 = _layer_tc(agg1, nd_col, ns_col, W1, b1r,
                           relu=True, want_h=True, want_table=True)

    agg2 = _aggregate_sc(table2, src_r, dst_r, zagg)
    (out,) = _layer_tc(agg2, nd_col, ns_col, W2p, b2r,
                       relu=False, want_h=True, want_table=False)

    return (out[:N, :NCLS], h1[:N])

# --- scband reference (transcript-rebuilt; emitter-appended) ---
"""Pipeline reference for scband-gnns-18193481466441 (READ-ONLY COPY).

The authoritative reference and input builder live on the scoring server;
editing this copy changes nothing except your own understanding.
"""

import jax, jax.numpy as jnp
import numpy as np

N = 10000
E = 320000
D_IN = 128
D_H = 128
N_CLASSES = 40


def _glorot(key, fan_in, fan_out):
    scale = jnp.sqrt(2.0 / (fan_in + fan_out))
    return jax.random.normal(key, (fan_in, fan_out), dtype=jnp.float32) * scale


def setup_inputs(seed: int = 0) -> dict:
    key = jax.random.key(seed)
    ks = jax.random.split(key, 8)
    feat = jax.random.normal(ks[0], (N, D_IN), dtype=jnp.float32)
    edge_index = jax.random.randint(ks[1], (2, E), 0, N, dtype=jnp.int32)
    W0 = _glorot(ks[2], D_IN, D_H)
    b0 = jnp.zeros((D_H,), dtype=jnp.float32)
    W1 = _glorot(ks[3], D_H, D_H)
    b1 = jnp.zeros((D_H,), dtype=jnp.float32)
    W2 = _glorot(ks[4], D_H, N_CLASSES)
    b2 = jnp.zeros((N_CLASSES,), dtype=jnp.float32)
    return {"feat": feat, "edge_index": edge_index, "W0": W0, "b0": b0, "W1": W1, "b1": b1, "W2": W2, "b2": b2}


def _gcn_layer(x, src, dst, norm_src, norm_dst, W, b, act):
    # DGL GraphConv, norm='both' (symmetric normalization), allow_zero_in_degree=True
    h = x * norm_src[:, None]
    msg = jnp.take(h, src, axis=0)
    agg = jax.ops.segment_sum(msg, dst, num_segments=N)
    agg = agg * norm_dst[:, None]
    out = agg @ W + b
    if act:
        out = jax.nn.relu(out)
    return out


def reference(feat, edge_index, W0, b0, W1, b1, W2, b2):
    src = edge_index[0]
    dst = edge_index[1]
    deg_out = jnp.clip(jnp.bincount(src, length=N), 1).astype(feat.dtype)
    deg_in = jnp.clip(jnp.bincount(dst, length=N), 1).astype(feat.dtype)
    norm_src = deg_out ** -0.5
    norm_dst = deg_in ** -0.5
    # layer_in = GraphConv(in, hidden, relu)
    h0 = _gcn_layer(feat, src, dst, norm_src, norm_dst, W0, b0, act=True)
    # dropout(p=0.0) -> identity in eval / p=0
    # layer_h = GraphConv(hidden, hidden, relu)
    layer_h = _gcn_layer(h0, src, dst, norm_src, norm_dst, W1, b1, act=True)
    # dropout(p=0.0) -> identity
    # layer_out = GraphConv(hidden, n_classes)
    layer_out = _gcn_layer(layer_h, src, dst, norm_src, norm_dst, W2, b2, act=False)
    return (layer_out, layer_h)

if __name__ == "__main__":
    import jax
    _d = setup_inputs()
    print(jax.jit(kernel)(*tuple(_d.values())))

</pallas_src>

<mosaic_0001>
#map = affine_map<(d0, d1) -> (0, 0)>
#map1 = affine_map<(d0, d1) -> (0, 0, 0)>
module attributes {stable_mosaic.version = 14 : i64} {
  func.func @k(%arg0: i32, %arg1: i32, %arg2: memref<10240x128xf32, #tpu.memory_space<hbm>>, %arg3: memref<2560x128xi32, #tpu.memory_space<hbm>>, %arg4: memref<2560x128xi32, #tpu.memory_space<hbm>>, %arg5: memref<640x128xf32, #tpu.memory_space<hbm>>, %arg6: memref<2x10240x128xf32, #tpu.memory_space<hbm>>, %arg7: memref<80x128xi32, #tpu.memory_space<vmem>>, %arg8: memref<80x128xi32, #tpu.memory_space<vmem>>, %arg9: memref<128x128xf32, #tpu.memory_space<vmem>>, %arg10: memref<10240x128xf32, #tpu.memory_space<vmem_shared>>) attributes {dimension_semantics = [#tpu.dimension_semantics<core_parallel>, #tpu.dimension_semantics<subcore_parallel>], iteration_bounds = array<i64: 2, 16>, scalar_prefetch = 0 : i64, scratch_operands = 4 : i64, tpu.core_type = #tpu.core_type<sc_vector_subcore>, window_params = [{transform_indices = #map}, {transform_indices = #map}, {transform_indices = #map}, {transform_indices = #map}, {transform_indices = #map1}]} {
    %eq3A = arith.constant 0 : i32
    %eq3A_0 = arith.cmpi eq, %arg0, %eq3A : i32
    %mul3A = arith.constant 80 : i32
    %mul3A_1 = arith.muli %arg1, %mul3A : i32
    %mul3A_2 = arith.constant 80 : i32
    %mul3A_3 = arith.muli %arg1, %mul3A_2 : i32
    %add3A = arith.constant 1280 : i32
    %add3A_4 = arith.addi %add3A, %mul3A_3 : i32
    %select_n3A = arith.select %eq3A_0, %mul3A_1, %add3A_4 : i32
    %eq3A_5 = arith.constant 0 : i32
    %eq3A_6 = arith.cmpi eq, %arg0, %eq3A_5 : i32
    %jit3A = arith.constant 80 : i32
    %jit3A_7 = arith.constant 80 : i32
    %select_n3A_8 = arith.select %eq3A_6, %jit3A, %jit3A_7 : i32
    "tpu.region"() ({
      %run_scoped3A = tpu.sem_alloc : memref<!tpu.dma_semaphore, #tpu.memory_space<semaphore_mem>>
      %dma_start3A = arith.constant 0 : i32
      %dma_start3A_25 = tpu.memref_slice %arg3[%select_n3A, %dma_start3A] : memref<2560x128xi32, #tpu.memory_space<hbm>> -> memref<80x128xi32, #tpu.memory_space<hbm>>
      %dma_start3A_26 = arith.constant 0 : i32
      %dma_start3A_27 = tpu.memref_slice %arg3[%select_n3A, %dma_start3A_26] : memref<2560x128xi32, #tpu.memory_space<hbm>> -> memref<80x128xi32, #tpu.memory_space<hbm>>
      tpu.enqueue_dma source(%dma_start3A_27 : memref<80x128xi32, #tpu.memory_space<hbm>>) target(%arg7 : memref<80x128xi32, #tpu.memory_space<vmem>>) target_semaphore(%run_scoped3A : memref<!tpu.dma_semaphore, #tpu.memory_space<semaphore_mem>>)
      %dma_wait3A = arith.constant 0 : i32
      %dma_wait3A_28 = tpu.memref_slice %arg3[%select_n3A, %dma_wait3A] : memref<2560x128xi32, #tpu.memory_space<hbm>> -> memref<80x128xi32, #tpu.memory_space<hbm>>
      %dma_wait3A_29 = arith.constant 0 : i32
      %dma_wait3A_30 = tpu.memref_slice %arg3[%select_n3A, %dma_wait3A_29] : memref<2560x128xi32, #tpu.memory_space<hbm>> -> memref<80x128xi32, #tpu.memory_space<hbm>>
      tpu.wait_dma2 semaphore(%run_scoped3A : memref<!tpu.dma_semaphore, #tpu.memory_space<semaphore_mem>>) src(%dma_wait3A_30 : memref<80x128xi32, #tpu.memory_space<hbm>>) dst(%arg7 : memref<80x128xi32, #tpu.memory_space<vmem>>)
      tpu.yield
    }) : () -> ()
    "tpu.region"() ({
      %run_scoped3A = tpu.sem_alloc : memref<!tpu.dma_semaphore, #tpu.memory_space<semaphore_mem>>
      %dma_start3A = arith.constant 0 : i32
      %dma_start3A_25 = tpu.memref_slice %arg4[%select_n3A, %dma_start3A] : memref<2560x128xi32, #tpu.memory_space<hbm>> -> memref<80x128xi32, #tpu.memory_space<hbm>>
      %dma_start3A_26 = arith.constant 0 : i32
      %dma_start3A_27 = tpu.memref_slice %arg4[%select_n3A, %dma_start3A_26] : memref<2560x128xi32, #tpu.memory_space<hbm>> -> memref<80x128xi32, #tpu.memory_space<hbm>>
      tpu.enqueue_dma source(%dma_start3A_27 : memref<80x128xi32, #tpu.memory_space<hbm>>) target(%arg8 : memref<80x128xi32, #tpu.memory_space<vmem>>) target_semaphore(%run_scoped3A : memref<!tpu.dma_semaphore, #tpu.memory_space<semaphore_mem>>)
      %dma_wait3A = arith.constant 0 : i32
      %dma_wait3A_28 = tpu.memref_slice %arg4[%select_n3A, %dma_wait3A] : memref<2560x128xi32, #tpu.memory_space<hbm>> -> memref<80x128xi32, #tpu.memory_space<hbm>>
      %dma_wait3A_29 = arith.constant 0 : i32
      %dma_wait3A_30 = tpu.memref_slice %arg4[%select_n3A, %dma_wait3A_29] : memref<2560x128xi32, #tpu.memory_space<hbm>> -> memref<80x128xi32, #tpu.memory_space<hbm>>
      tpu.wait_dma2 semaphore(%run_scoped3A : memref<!tpu.dma_semaphore, #tpu.memory_space<semaphore_mem>>) src(%dma_wait3A_30 : memref<80x128xi32, #tpu.memory_space<hbm>>) dst(%arg8 : memref<80x128xi32, #tpu.memory_space<vmem>>)
      tpu.yield
    }) : () -> ()
    %mul3A_9 = arith.constant 640 : i32
    %mul3A_10 = arith.muli %arg1, %mul3A_9 : i32
    "tpu.region"() ({
      %run_scoped3A = tpu.sem_alloc : memref<!tpu.dma_semaphore, #tpu.memory_space<semaphore_mem>>
      %dma_start3A = arith.constant 0 : i32
      %dma_start3A_25 = tpu.memref_slice %arg10[%mul3A_10, %dma_start3A] : memref<10240x128xf32, #tpu.memory_space<vmem_shared>> -> memref<640x128xf32, #tpu.memory_space<vmem_shared>>
      tpu.enqueue_dma source(%arg5 : memref<640x128xf32, #tpu.memory_space<hbm>>) target(%dma_start3A_25 : memref<640x128xf32, #tpu.memory_space<vmem_shared>>) target_semaphore(%run_scoped3A : memref<!tpu.dma_semaphore, #tpu.memory_space<semaphore_mem>>)
      %dma_wait3A = arith.constant 0 : i32
      %dma_wait3A_26 = tpu.memref_slice %arg10[%mul3A_10, %dma_wait3A] : memref<10240x128xf32, #tpu.memory_space<vmem_shared>> -> memref<640x128xf32, #tpu.memory_space<vmem_shared>>
      tpu.wait_dma2 semaphore(%run_scoped3A : memref<!tpu.dma_semaphore, #tpu.memory_space<semaphore_mem>>) src(%arg5 : memref<640x128xf32, #tpu.memory_space<hbm>>) dst(%dma_wait3A_26 : memref<640x128xf32, #tpu.memory_space<vmem_shared>>)
      tpu.yield
    }) : () -> ()
    %barrier3A = arith.constant 0 : index
    tpu.barrier barrier_id(%barrier3A)
    %while3A = arith.constant 0 : i32
    %while3A_11 = arith.constant 0 : i32
    %while3A_12 = arith.subi %select_n3A_8, %while3A_11 : i32
    %while3A_13 = arith.addi %while3A_11, %while3A_12 : i32
    %while3A_14 = arith.constant 1 : i32
    %while3A_15 = arith.divsi %while3A_12, %while3A_14 : i32
    %while3A_16 = arith.muli %while3A_15, %while3A_14 : i32
    %while3A_17 = arith.addi %while3A_11, %while3A_16 : i32
    %while3A_18 = arith.constant 1 : i32
    scf.for %while3A_25 = %while3A_11 to %while3A_17 step %while3A_18  : i32 {
      "tpu.region"() ({
        %run_scoped3A = tpu.sem_alloc : memref<!tpu.dma_semaphore, #tpu.memory_space<semaphore_mem>>
        %dma_start3A = arith.constant 0 : i32
        %dma_start3A_26 = tpu.memref_slice %arg7[%while3A_25, %dma_start3A] : memref<80x128xi32, #tpu.memory_space<vmem>> -> memref<1x128xi32, #tpu.memory_space<vmem>>
        %dma_start3A_27 = tpu.memref_squeeze %dma_start3A_26 : memref<1x128xi32, #tpu.memory_space<vmem>> -> memref<128xi32, #tpu.memory_space<vmem>>
        %dma_start3A_28 = arith.constant 0 : i32
        %dma_start3A_29 = arith.constant 0 : i32
        %dma_start3A_30 = tpu.memref_slice %arg2[%dma_start3A_28, %dma_start3A_29] : memref<10240x128xf32, #tpu.memory_space<hbm>> -> memref<10240x128xf32, #tpu.memory_space<hbm>>
        tpu.enqueue_indirect_dma source(%dma_start3A_30 : memref<10240x128xf32, #tpu.memory_space<hbm>>) target(%arg9 : memref<128x128xf32, #tpu.memory_space<vmem>>) offsets(%dma_start3A_27 : memref<128xi32, #tpu.memory_space<vmem>>) semaphore(%run_scoped3A : memref<!tpu.dma_semaphore, #tpu.memory_space<semaphore_mem>>)
        %dma_wait3A = arith.constant 0 : i32
        %dma_wait3A_31 = tpu.memref_slice %arg7[%while3A_25, %dma_wait3A] : memref<80x128xi32, #tpu.memory_space<vmem>> -> memref<1x128xi32, #tpu.memory_space<vmem>>
        %dma_wait3A_32 = tpu.memref_squeeze %dma_wait3A_31 : memref<1x128xi32, #tpu.memory_space<vmem>> -> memref<128xi32, #tpu.memory_space<vmem>>
        %dma_wait3A_33 = arith.constant 0 : i32
        %dma_wait3A_34 = arith.constant 0 : i32
        %dma_wait3A_35 = tpu.memref_slice %arg2[%dma_wait3A_33, %dma_wait3A_34] : memref<10240x128xf32, #tpu.memory_space<hbm>> -> memref<10240x128xf32, #tpu.memory_space<hbm>>
        tpu.wait_indirect_dma semaphore(%run_scoped3A : memref<!tpu.dma_semaphore, #tpu.memory_space<semaphore_mem>>) src(%dma_wait3A_35 : memref<10240x128xf32, #tpu.memory_space<hbm>>) dst(%arg9 : memref<128x128xf32, #tpu.memory_space<vmem>>)
        tpu.yield
      }) : () -> ()
      "tpu.region"() ({
        %run_scoped3A = tpu.sem_alloc : memref<!tpu.dma_semaphore, #tpu.memory_space<semaphore_mem>>
        %dma_start3A = arith.constant 0 : i32
        %dma_start3A_26 = tpu.memref_slice %arg8[%while3A_25, %dma_start3A] : memref<80x128xi32, #tpu.memory_space<vmem>> -> memref<1x128xi32, #tpu.memory_space<vmem>>
        %dma_start3A_27 = tpu.memref_squeeze %dma_start3A_26 : memref<1x128xi32, #tpu.memory_space<vmem>> -> memref<128xi32, #tpu.memory_space<vmem>>
        %dma_start3A_28 = arith.constant 0 : i32
        %dma_start3A_29 = arith.constant 0 : i32
        %dma_start3A_30 = tpu.memref_slice %arg10[%dma_start3A_28, %dma_start3A_29] : memref<10240x128xf32, #tpu.memory_space<vmem_shared>> -> memref<10240x128xf32, #tpu.memory_space<vmem_shared>>
        tpu.enqueue_indirect_dma source(%arg9 : memref<128x128xf32, #tpu.memory_space<vmem>>) target(%dma_start3A_30 : memref<10240x128xf32, #tpu.memory_space<vmem_shared>>) offsets(%dma_start3A_27 : memref<128xi32, #tpu.memory_space<vmem>>) semaphore(%run_scoped3A : memref<!tpu.dma_semaphore, #tpu.memory_space<semaphore_mem>>) {add = true}
        %dma_wait3A = arith.constant 0 : i32
        %dma_wait3A_31 = tpu.memref_slice %arg8[%while3A_25, %dma_wait3A] : memref<80x128xi32, #tpu.memory_space<vmem>> -> memref<1x128xi32, #tpu.memory_space<vmem>>
        %dma_wait3A_32 = tpu.memref_squeeze %dma_wait3A_31 : memref<1x128xi32, #tpu.memory_space<vmem>> -> memref<128xi32, #tpu.memory_space<vmem>>
        %dma_wait3A_33 = arith.constant 0 : i32
        %dma_wait3A_34 = arith.constant 0 : i32
        %dma_wait3A_35 = tpu.memref_slice %arg10[%dma_wait3A_33, %dma_wait3A_34] : memref<10240x128xf32, #tpu.memory_space<vmem_shared>> -> memref<10240x128xf32, #tpu.memory_space<vmem_shared>>
        tpu.wait_indirect_dma semaphore(%run_scoped3A : memref<!tpu.dma_semaphore, #tpu.memory_space<semaphore_mem>>) src(%arg9 : memref<128x128xf32, #tpu.memory_space<vmem>>) dst(%dma_wait3A_35 : memref<10240x128xf32, #tpu.memory_space<vmem_shared>>)
        tpu.yield
      }) : () -> ()
    }
    %while3A_19 = arith.constant 1 : i32
    scf.for %while3A_25 = %while3A_17 to %while3A_13 step %while3A_19  : i32 {
      "tpu.region"() ({
        %run_scoped3A = tpu.sem_alloc : memref<!tpu.dma_semaphore, #tpu.memory_space<semaphore_mem>>
        %dma_start3A = arith.constant 0 : i32
        %dma_start3A_26 = tpu.memref_slice %arg7[%while3A_25, %dma_start3A] : memref<80x128xi32, #tpu.memory_space<vmem>> -> memref<1x128xi32, #tpu.memory_space<vmem>>
        %dma_start3A_27 = tpu.memref_squeeze %dma_start3A_26 : memref<1x128xi32, #tpu.memory_space<vmem>> -> memref<128xi32, #tpu.memory_space<vmem>>
        %dma_start3A_28 = arith.constant 0 : i32
        %dma_start3A_29 = arith.constant 0 : i32
        %dma_start3A_30 = tpu.memref_slice %arg2[%dma_start3A_28, %dma_start3A_29] : memref<10240x128xf32, #tpu.memory_space<hbm>> -> memref<10240x128xf32, #tpu.memory_space<hbm>>
        tpu.enqueue_indirect_dma source(%dma_start3A_30 : memref<10240x128xf32, #tpu.memory_space<hbm>>) target(%arg9 : memref<128x128xf32, #tpu.memory_space<vmem>>) offsets(%dma_start3A_27 : memref<128xi32, #tpu.memory_space<vmem>>) semaphore(%run_scoped3A : memref<!tpu.dma_semaphore, #tpu.memory_space<semaphore_mem>>)
        %dma_wait3A = arith.constant 0 : i32
        %dma_wait3A_31 = tpu.memref_slice %arg7[%while3A_25, %dma_wait3A] : memref<80x128xi32, #tpu.memory_space<vmem>> -> memref<1x128xi32, #tpu.memory_space<vmem>>
        %dma_wait3A_32 = tpu.memref_squeeze %dma_wait3A_31 : memref<1x128xi32, #tpu.memory_space<vmem>> -> memref<128xi32, #tpu.memory_space<vmem>>
        %dma_wait3A_33 = arith.constant 0 : i32
        %dma_wait3A_34 = arith.constant 0 : i32
        %dma_wait3A_35 = tpu.memref_slice %arg2[%dma_wait3A_33, %dma_wait3A_34] : memref<10240x128xf32, #tpu.memory_space<hbm>> -> memref<10240x128xf32, #tpu.memory_space<hbm>>
        tpu.wait_indirect_dma semaphore(%run_scoped3A : memref<!tpu.dma_semaphore, #tpu.memory_space<semaphore_mem>>) src(%dma_wait3A_35 : memref<10240x128xf32, #tpu.memory_space<hbm>>) dst(%arg9 : memref<128x128xf32, #tpu.memory_space<vmem>>)
        tpu.yield
      }) : () -> ()
      "tpu.region"() ({
        %run_scoped3A = tpu.sem_alloc : memref<!tpu.dma_semaphore, #tpu.memory_space<semaphore_mem>>
        %dma_start3A = arith.constant 0 : i32
        %dma_start3A_26 = tpu.memref_slice %arg8[%while3A_25, %dma_start3A] : memref<80x128xi32, #tpu.memory_space<vmem>> -> memref<1x128xi32, #tpu.memory_space<vmem>>
        %dma_start3A_27 = tpu.memref_squeeze %dma_start3A_26 : memref<1x128xi32, #tpu.memory_space<vmem>> -> memref<128xi32, #tpu.memory_space<vmem>>
        %dma_start3A_28 = arith.constant 0 : i32
        %dma_start3A_29 = arith.constant 0 : i32
        %dma_start3A_30 = tpu.memref_slice %arg10[%dma_start3A_28, %dma_start3A_29] : memref<10240x128xf32, #tpu.memory_space<vmem_shared>> -> memref<10240x128xf32, #tpu.memory_space<vmem_shared>>
        tpu.enqueue_indirect_dma source(%arg9 : memref<128x128xf32, #tpu.memory_space<vmem>>) target(%dma_start3A_30 : memref<10240x128xf32, #tpu.memory_space<vmem_shared>>) offsets(%dma_start3A_27 : memref<128xi32, #tpu.memory_space<vmem>>) semaphore(%run_scoped3A : memref<!tpu.dma_semaphore, #tpu.memory_space<semaphore_mem>>) {add = true}
        %dma_wait3A = arith.constant 0 : i32
        %dma_wait3A_31 = tpu.memref_slice %arg8[%while3A_25, %dma_wait3A] : memref<80x128xi32, #tpu.memory_space<vmem>> -> memref<1x128xi32, #tpu.memory_space<vmem>>
        %dma_wait3A_32 = tpu.memref_squeeze %dma_wait3A_31 : memref<1x128xi32, #tpu.memory_space<vmem>> -> memref<128xi32, #tpu.memory_space<vmem>>
        %dma_wait3A_33 = arith.constant 0 : i32
        %dma_wait3A_34 = arith.constant 0 : i32
        %dma_wait3A_35 = tpu.memref_slice %arg10[%dma_wait3A_33, %dma_wait3A_34] : memref<10240x128xf32, #tpu.memory_space<vmem_shared>> -> memref<10240x128xf32, #tpu.memory_space<vmem_shared>>
        tpu.wait_indirect_dma semaphore(%run_scoped3A : memref<!tpu.dma_semaphore, #tpu.memory_space<semaphore_mem>>) src(%arg9 : memref<128x128xf32, #tpu.memory_space<vmem>>) dst(%dma_wait3A_35 : memref<10240x128xf32, #tpu.memory_space<vmem_shared>>)
        tpu.yield
      }) : () -> ()
    }
    %barrier3A_20 = arith.constant 0 : index
    tpu.barrier barrier_id(%barrier3A_20)
    %mul3A_21 = arith.constant 640 : i32
    %mul3A_22 = arith.muli %arg1, %mul3A_21 : i32
    %mul3A_23 = arith.constant 640 : i32
    %mul3A_24 = arith.muli %arg1, %mul3A_23 : i32
    "tpu.region"() ({
      %run_scoped3A = tpu.sem_alloc : memref<!tpu.dma_semaphore, #tpu.memory_space<semaphore_mem>>
      %dma_start3A = arith.constant 0 : i32
      %dma_start3A_25 = tpu.memref_slice %arg6[%arg0, %mul3A_24, %dma_start3A] : memref<2x10240x128xf32, #tpu.memory_space<hbm>> -> memref<1x640x128xf32, #tpu.memory_space<hbm>>
      %dma_start3A_26 = tpu.memref_squeeze %dma_start3A_25 : memref<1x640x128xf32, #tpu.memory_space<hbm>> -> memref<640x128xf32, #tpu.memory_space<hbm>>
      %dma_start3A_27 = arith.constant 0 : i32
      %dma_start3A_28 = tpu.memref_slice %arg10[%mul3A_22, %dma_start3A_27] : memref<10240x128xf32, #tpu.memory_space<vmem_shared>> -> memref<640x128xf32, #tpu.memory_space<vmem_shared>>
      tpu.enqueue_dma source(%dma_start3A_28 : memref<640x128xf32, #tpu.memory_space<vmem_shared>>) target(%dma_start3A_26 : memref<640x128xf32, #tpu.memory_space<hbm>>) target_semaphore(%run_scoped3A : memref<!tpu.dma_semaphore, #tpu.memory_space<semaphore_mem>>)
      %dma_wait3A = arith.constant 0 : i32
      %dma_wait3A_29 = tpu.memref_slice %arg6[%arg0, %mul3A_24, %dma_wait3A] : memref<2x10240x128xf32, #tpu.memory_space<hbm>> -> memref<1x640x128xf32, #tpu.memory_space<hbm>>
      %dma_wait3A_30 = tpu.memref_squeeze %dma_wait3A_29 : memref<1x640x128xf32, #tpu.memory_space<hbm>> -> memref<640x128xf32, #tpu.memory_space<hbm>>
      %dma_wait3A_31 = arith.constant 0 : i32
      %dma_wait3A_32 = tpu.memref_slice %arg10[%mul3A_22, %dma_wait3A_31] : memref<10240x128xf32, #tpu.memory_space<vmem_shared>> -> memref<640x128xf32, #tpu.memory_space<vmem_shared>>
      tpu.wait_dma2 semaphore(%run_scoped3A : memref<!tpu.dma_semaphore, #tpu.memory_space<semaphore_mem>>) src(%dma_wait3A_32 : memref<640x128xf32, #tpu.memory_space<vmem_shared>>) dst(%dma_wait3A_30 : memref<640x128xf32, #tpu.memory_space<hbm>>)
      tpu.yield
    }) : () -> ()
    return
  }
}

#map = affine_map<(d0, d1) -> (0)>
#map1 = affine_map<(d0, d1) -> (0, 0, 0)>
module attributes {stable_mosaic.version = 14 : i64} {
  func.func @k(%arg0: i32, %arg1: i32, %arg2: memref<327680xi32, #tpu.memory_space<hbm>>, %arg3: memref<327680xi32, #tpu.memory_space<hbm>>, %arg4: memref<20480xf32, #tpu.memory_space<hbm>>, %arg5: memref<2x16x20480xf32, #tpu.memory_space<hbm>>, %arg6: memref<128xi32, #tpu.memory_space<vmem>>, %arg7: memref<128xi32, #tpu.memory_space<vmem>>, %arg8: memref<20480xf32, #tpu.memory_space<vmem>>) attributes {dimension_semantics = [#tpu.dimension_semantics<core_parallel>, #tpu.dimension_semantics<subcore_parallel>], iteration_bounds = array<i64: 2, 16>, scalar_prefetch = 0 : i64, scratch_operands = 3 : i64, tpu.core_type = #tpu.core_type<sc_vector_subcore>, window_params = [{transform_indices = #map}, {transform_indices = #map}, {transform_indices = #map}, {transform_indices = #map1}]} {
    %mul3A = arith.constant 16 : i32
    %mul3A_0 = arith.muli %arg0, %mul3A : i32
    %add3A = arith.addi %mul3A_0, %arg1 : i32
    "tpu.region"() ({
      %run_scoped3A = tpu.sem_alloc : memref<!tpu.dma_semaphore, #tpu.memory_space<semaphore_mem>>
      tpu.enqueue_dma source(%arg4 : memref<20480xf32, #tpu.memory_space<hbm>>) target(%arg8 : memref<20480xf32, #tpu.memory_space<vmem>>) target_semaphore(%run_scoped3A : memref<!tpu.dma_semaphore, #tpu.memory_space<semaphore_mem>>)
      tpu.wait_dma2 semaphore(%run_scoped3A : memref<!tpu.dma_semaphore, #tpu.memory_space<semaphore_mem>>) src(%arg4 : memref<20480xf32, #tpu.memory_space<hbm>>) dst(%arg8 : memref<20480xf32, #tpu.memory_space<vmem>>)
      tpu.yield
    }) : () -> ()
    %broadcast_in_dim3A = arith.constant 1.000000e+00 : f32
    %broadcast_in_dim3A_1 = vector.broadcast %broadcast_in_dim3A : f32 to vector<16xf32>
    %broadcast_in_dim3A_2 = arith.constant 10240 : i32
    %broadcast_in_dim3A_3 = vector.broadcast %broadcast_in_dim3A_2 : i32 to vector<16xi32>
    %scan3A = arith.constant 0 : i32
    %scan3A_4 = arith.constant 0 : i32
    %scan3A_5 = arith.constant 80 : i32
    %scan3A_6 = arith.addi %scan3A_4, %scan3A_5 : i32
    %scan3A_7 = arith.constant 1 : i32
    scf.for %scan3A_9 = %scan3A_4 to %scan3A_6 step %scan3A_7  : i32 {
      %mul3A_10 = arith.constant 10240 : i32
      %mul3A_11 = arith.muli %add3A, %mul3A_10 : i32
      %mul3A_12 = arith.constant 128 : i32
      %mul3A_13 = arith.muli %scan3A_9, %mul3A_12 : i32
      %add3A_14 = arith.addi %mul3A_11, %mul3A_13 : i32
      "tpu.region"() ({
        %run_scoped3A = tpu.sem_alloc : memref<!tpu.dma_semaphore, #tpu.memory_space<semaphore_mem>>
        %dma_start3A = tpu.memref_slice %arg2[%add3A_14] : memref<327680xi32, #tpu.memory_space<hbm>> -> memref<128xi32, #tpu.memory_space<hbm>>
        %dma_start3A_54 = tpu.memref_slice %arg2[%add3A_14] : memref<327680xi32, #tpu.memory_space<hbm>> -> memref<128xi32, #tpu.memory_space<hbm>>
        tpu.enqueue_dma source(%dma_start3A_54 : memref<128xi32, #tpu.memory_space<hbm>>) target(%arg6 : memref<128xi32, #tpu.memory_space<vmem>>) target_semaphore(%run_scoped3A : memref<!tpu.dma_semaphore, #tpu.memory_space<semaphore_mem>>)
        %dma_wait3A = tpu.memref_slice %arg2[%add3A_14] : memref<327680xi32, #tpu.memory_space<hbm>> -> memref<128xi32, #tpu.memory_space<hbm>>
        %dma_wait3A_55 = tpu.memref_slice %arg2[%add3A_14] : memref<327680xi32, #tpu.memory_space<hbm>> -> memref<128xi32, #tpu.memory_space<hbm>>
        tpu.wait_dma2 semaphore(%run_scoped3A : memref<!tpu.dma_semaphore, #tpu.memory_space<semaphore_mem>>) src(%dma_wait3A_55 : memref<128xi32, #tpu.memory_space<hbm>>) dst(%arg6 : memref<128xi32, #tpu.memory_space<vmem>>)
        tpu.yield
      }) : () -> ()
      "tpu.region"() ({
        %run_scoped3A = tpu.sem_alloc : memref<!tpu.dma_semaphore, #tpu.memory_space<semaphore_mem>>
        %dma_start3A = tpu.memref_slice %arg3[%add3A_14] : memref<327680xi32, #tpu.memory_space<hbm>> -> memref<128xi32, #tpu.memory_space<hbm>>
        %dma_start3A_54 = tpu.memref_slice %arg3[%add3A_14] : memref<327680xi32, #tpu.memory_space<hbm>> -> memref<128xi32, #tpu.memory_space<hbm>>
        tpu.enqueue_dma source(%dma_start3A_54 : memref<128xi32, #tpu.memory_space<hbm>>) target(%arg7 : memref<128xi32, #tpu.memory_space<vmem>>) target_semaphore(%run_scoped3A : memref<!tpu.dma_semaphore, #tpu.memory_space<semaphore_mem>>)
        %dma_wait3A = tpu.memref_slice %arg3[%add3A_14] : memref<327680xi32, #tpu.memory_space<hbm>> -> memref<128xi32, #tpu.memory_space<hbm>>
        %dma_wait3A_55 = tpu.memref_slice %arg3[%add3A_14] : memref<327680xi32, #tpu.memory_space<hbm>> -> memref<128xi32, #tpu.memory_space<hbm>>
        tpu.wait_dma2 semaphore(%run_scoped3A : memref<!tpu.dma_semaphore, #tpu.memory_space<semaphore_mem>>) src(%dma_wait3A_55 : memref<128xi32, #tpu.memory_space<hbm>>) dst(%arg7 : memref<128xi32, #tpu.memory_space<vmem>>)
        tpu.yield
      }) : () -> ()
      %get3A = arith.constant 0 : index
      %get3A_15 = tpu.vector_load %arg6[%get3A] {strides = array<i32>} : memref<128xi32, #tpu.memory_space<vmem>>, vector<16xi32>,
      tpu.vector_store_idx %arg8[%get3A_15], %broadcast_in_dim3A_1 {add = true} : memref<20480xf32, #tpu.memory_space<vmem>>[vector<16xi32>], vector<16xf32>,
      %get3A_16 = arith.constant 0 : index
      %get3A_17 = tpu.vector_load %arg7[%get3A_16] {strides = array<i32>} : memref<128xi32, #tpu.memory_space<vmem>>, vector<16xi32>,
      %add3A_18 = arith.addi %get3A_17, %broadcast_in_dim3A_3 : vector<16xi32>
      tpu.vector_store_idx %arg8[%add3A_18], %broadcast_in_dim3A_1 {add = true} : memref<20480xf32, #tpu.memory_space<vmem>>[vector<16xi32>], vector<16xf32>,
      %get3A_19 = arith.constant 16 : index
      %get3A_20 = tpu.vector_load %arg6[%get3A_19] {strides = array<i32>} : memref<128xi32, #tpu.memory_space<vmem>>, vector<16xi32>,
      tpu.vector_store_idx %arg8[%get3A_20], %broadcast_in_dim3A_1 {add = true} : memref<20480xf32, #tpu.memory_space<vmem>>[vector<16xi32>], vector<16xf32>,
      %get3A_21 = arith.constant 16 : index
      %get3A_22 = tpu.vector_load %arg7[%get3A_21] {strides = array<i32>} : memref<128xi32, #tpu.memory_space<vmem>>, vector<16xi32>,
      %add3A_23 = arith.addi %get3A_22, %broadcast_in_dim3A_3 : vector<16xi32>
      tpu.vector_store_idx %arg8[%add3A_23], %broadcast_in_dim3A_1 {add = true} : memref<20480xf32, #tpu.memory_space<vmem>>[vector<16xi32>], vector<16xf32>,
      %get3A_24 = arith.constant 32 : index
      %get3A_25 = tpu.vector_load %arg6[%get3A_24] {strides = array<i32>} : memref<128xi32, #tpu.memory_space<vmem>>, vector<16xi32>,
      tpu.vector_store_idx %arg8[%get3A_25], %broadcast_in_dim3A_1 {add = true} : memref<20480xf32, #tpu.memory_space<vmem>>[vector<16xi32>], vector<16xf32>,
      %get3A_26 = arith.constant 32 : index
      %get3A_27 = tpu.vector_load %arg7[%get3A_26] {strides = array<i32>} : memref<128xi32, #tpu.memory_space<vmem>>, vector<16xi32>,
      %add3A_28 = arith.addi %get3A_27, %broadcast_in_dim3A_3 : vector<16xi32>
      tpu.vector_store_idx %arg8[%add3A_28], %broadcast_in_dim3A_1 {add = true} : memref<20480xf32, #tpu.memory_space<vmem>>[vector<16xi32>], vector<16xf32>,
      %get3A_29 = arith.constant 48 : index
      %get3A_30 = tpu.vector_load %arg6[%get3A_29] {strides = array<i32>} : memref<128xi32, #tpu.memory_space<vmem>>, vector<16xi32>,
      tpu.vector_store_idx %arg8[%get3A_30], %broadcast_in_dim3A_1 {add = true} : memref<20480xf32, #tpu.memory_space<vmem>>[vector<16xi32>], vector<16xf32>,
      %get3A_31 = arith.constant 48 : index
      %get3A_32 = tpu.vector_load %arg7[%get3A_31] {strides = array<i32>} : memref<128xi32, #tpu.memory_space<vmem>>, vector<16xi32>,
      %add3A_33 = arith.addi %get3A_32, %broadcast_in_dim3A_3 : vector<16xi32>
      tpu.vector_store_idx %arg8[%add3A_33], %broadcast_in_dim3A_1 {add = true} : memref<20480xf32, #tpu.memory_space<vmem>>[vector<16xi32>], vector<16xf32>,
      %get3A_34 = arith.constant 64 : index
      %get3A_35 = tpu.vector_load %arg6[%get3A_34] {strides = array<i32>} : memref<128xi32, #tpu.memory_space<vmem>>, vector<16xi32>,
      tpu.vector_store_idx %arg8[%get3A_35], %broadcast_in_dim3A_1 {add = true} : memref<20480xf32, #tpu.memory_space<vmem>>[vector<16xi32>], vector<16xf32>,
      %get3A_36 = arith.constant 64 : index
      %get3A_37 = tpu.vector_load %arg7[%get3A_36] {strides = array<i32>} : memref<128xi32, #tpu.memory_space<vmem>>, vector<16xi32>,
      %add3A_38 = arith.addi %get3A_37, %broadcast_in_dim3A_3 : vector<16xi32>
      tpu.vector_store_idx %arg8[%add3A_38], %broadcast_in_dim3A_1 {add = true} : memref<20480xf32, #tpu.memory_space<vmem>>[vector<16xi32>], vector<16xf32>,
      %get3A_39 = arith.constant 80 : index
      %get3A_40 = tpu.vector_load %arg6[%get3A_39] {strides = array<i32>} : memref<128xi32, #tpu.memory_space<vmem>>, vector<16xi32>,
      tpu.vector_store_idx %arg8[%get3A_40], %broadcast_in_dim3A_1 {add = true} : memref<20480xf32, #tpu.memory_space<vmem>>[vector<16xi32>], vector<16xf32>,
      %get3A_41 = arith.constant 80 : index
      %get3A_42 = tpu.vector_load %arg7[%get3A_41] {strides = array<i32>} : memref<128xi32, #tpu.memory_space<vmem>>, vector<16xi32>,
      %add3A_43 = arith.addi %get3A_42, %broadcast_in_dim3A_3 : vector<16xi32>
      tpu.vector_store_idx %arg8[%add3A_43], %broadcast_in_dim3A_1 {add = true} : memref<20480xf32, #tpu.memory_space<vmem>>[vector<16xi32>], vector<16xf32>,
      %get3A_44 = arith.constant 96 : index
      %get3A_45 = tpu.vector_load %arg6[%get3A_44] {strides = array<i32>} : memref<128xi32, #tpu.memory_space<vmem>>, vector<16xi32>,
      tpu.vector_store_idx %arg8[%get3A_45], %broadcast_in_dim3A_1 {add = true} : memref<20480xf32, #tpu.memory_space<vmem>>[vector<16xi32>], vector<16xf32>,
      %get3A_46 = arith.constant 96 : index
      %get3A_47 = tpu.vector_load %arg7[%get3A_46] {strides = array<i32>} : memref<128xi32, #tpu.memory_space<vmem>>, vector<16xi32>,
      %add3A_48 = arith.addi %get3A_47, %broadcast_in_dim3A_3 : vector<16xi32>
      tpu.vector_store_idx %arg8[%add3A_48], %broadcast_in_dim3A_1 {add = true} : memref<20480xf32, #tpu.memory_space<vmem>>[vector<16xi32>], vector<16xf32>,
      %get3A_49 = arith.constant 112 : index
      %get3A_50 = tpu.vector_load %arg6[%get3A_49] {strides = array<i32>} : memref<128xi32, #tpu.memory_space<vmem>>, vector<16xi32>,
      tpu.vector_store_idx %arg8[%get3A_50], %broadcast_in_dim3A_1 {add = true} : memref<20480xf32, #tpu.memory_space<vmem>>[vector<16xi32>], vector<16xf32>,
      %get3A_51 = arith.constant 112 : index
      %get3A_52 = tpu.vector_load %arg7[%get3A_51] {strides = array<i32>} : memref<128xi32, #tpu.memory_space<vmem>>, vector<16xi32>,
      %add3A_53 = arith.addi %get3A_52, %broadcast_in_dim3A_3 : vector<16xi32>
      tpu.vector_store_idx %arg8[%add3A_53], %broadcast_in_dim3A_1 {add = true} : memref<20480xf32, #tpu.memory_space<vmem>>[vector<16xi32>], vector<16xf32>,
    }
    %scan3A_8 = arith.constant 80 : i32
    "tpu.region"() ({
      %run_scoped3A = tpu.sem_alloc : memref<!tpu.dma_semaphore, #tpu.memory_space<semaphore_mem>>
      %dma_start3A = arith.constant 0 : i32
      %dma_start3A_9 = tpu.memref_slice %arg5[%arg0, %arg1, %dma_start3A] : memref<2x16x20480xf32, #tpu.memory_space<hbm>> -> memref<1x1x20480xf32, #tpu.memory_space<hbm>>
      %dma_start3A_10 = tpu.memref_squeeze %dma_start3A_9 : memref<1x1x20480xf32, #tpu.memory_space<hbm>> -> memref<20480xf32, #tpu.memory_space<hbm>>
      %dma_start3A_11 = arith.constant 0 : i32
      %dma_start3A_12 = tpu.memref_slice %arg5[%arg0, %arg1, %dma_start3A_11] : memref<2x16x20480xf32, #tpu.memory_space<hbm>> -> memref<1x1x20480xf32, #tpu.memory_space<hbm>>
      %dma_start3A_13 = tpu.memref_squeeze %dma_start3A_12 : memref<1x1x20480xf32, #tpu.memory_space<hbm>> -> memref<20480xf32, #tpu.memory_space<hbm>>
      tpu.enqueue_dma source(%arg8 : memref<20480xf32, #tpu.memory_space<vmem>>) target(%dma_start3A_13 : memref<20480xf32, #tpu.memory_space<hbm>>) target_semaphore(%run_scoped3A : memref<!tpu.dma_semaphore, #tpu.memory_space<semaphore_mem>>)
      %dma_wait3A = arith.constant 0 : i32
      %dma_wait3A_14 = tpu.memref_slice %arg5[%arg0, %arg1, %dma_wait3A] : memref<2x16x20480xf32, #tpu.memory_space<hbm>> -> memref<1x1x20480xf32, #tpu.memory_space<hbm>>
      %dma_wait3A_15 = tpu.memref_squeeze %dma_wait3A_14 : memref<1x1x20480xf32, #tpu.memory_space<hbm>> -> memref<20480xf32, #tpu.memory_space<hbm>>
      %dma_wait3A_16 = arith.constant 0 : i32
      %dma_wait3A_17 = tpu.memref_slice %arg5[%arg0, %arg1, %dma_wait3A_16] : memref<2x16x20480xf32, #tpu.memory_space<hbm>> -> memref<1x1x20480xf32, #tpu.memory_space<hbm>>
      %dma_wait3A_18 = tpu.memref_squeeze %dma_wait3A_17 : memref<1x1x20480xf32, #tpu.memory_space<hbm>> -> memref<20480xf32, #tpu.memory_space<hbm>>
      tpu.wait_dma2 semaphore(%run_scoped3A : memref<!tpu.dma_semaphore, #tpu.memory_space<semaphore_mem>>) src(%arg8 : memref<20480xf32, #tpu.memory_space<vmem>>) dst(%dma_wait3A_18 : memref<20480xf32, #tpu.memory_space<hbm>>)
      tpu.yield
    }) : () -> ()
    return
  }
}

#map = affine_map<(d0, d1) -> (0, 0)>
#map1 = affine_map<(d0, d1) -> (0, 0, 0)>
module attributes {stable_mosaic.version = 14 : i64} {
  func.func @k(%arg0: i32, %arg1: i32, %arg2: memref<10240x128xf32, #tpu.memory_space<hbm>>, %arg3: memref<2560x128xi32, #tpu.memory_space<hbm>>, %arg4: memref<2560x128xi32, #tpu.memory_space<hbm>>, %arg5: memref<640x128xf32, #tpu.memory_space<hbm>>, %arg6: memref<2x10240x128xf32, #tpu.memory_space<hbm>>, %arg7: memref<80x128xi32, #tpu.memory_space<vmem>>, %arg8: memref<80x128xi32, #tpu.memory_space<vmem>>, %arg9: memref<128x128xf32, #tpu.memory_space<vmem>>, %arg10: memref<10240x128xf32, #tpu.memory_space<vmem_shared>>) attributes {dimension_semantics = [#tpu.dimension_semantics<core_parallel>, #tpu.dimension_semantics<subcore_parallel>], iteration_bounds = array<i64: 2, 16>, scalar_prefetch = 0 : i64, scratch_operands = 4 : i64, tpu.core_type = #tpu.core_type<sc_vector_subcore>, window_params = [{transform_indices = #map}, {transform_indices = #map}, {transform_indices = #map}, {transform_indices = #map}, {transform_indices = #map1}]} {
    %eq3A = arith.constant 0 : i32
    %eq3A_0 = arith.cmpi eq, %arg0, %eq3A : i32
    %mul3A = arith.constant 80 : i32
    %mul3A_1 = arith.muli %arg1, %mul3A : i32
    %mul3A_2 = arith.constant 80 : i32
    %mul3A_3 = arith.muli %arg1, %mul3A_2 : i32
    %add3A = arith.constant 1280 : i32
    %add3A_4 = arith.addi %add3A, %mul3A_3 : i32
    %select_n3A = arith.select %eq3A_0, %mul3A_1, %add3A_4 : i32
    %eq3A_5 = arith.constant 0 : i32
    %eq3A_6 = arith.cmpi eq, %arg0, %eq3A_5 : i32
    %jit3A = arith.constant 80 : i32
    %jit3A_7 = arith.constant 80 : i32
    %select_n3A_8 = arith.select %eq3A_6, %jit3A, %jit3A_7 : i32
    "tpu.region"() ({
      %run_scoped3A = tpu.sem_alloc : memref<!tpu.dma_semaphore, #tpu.memory_space<semaphore_mem>>
      %dma_start3A = arith.constant 0 : i32
      %dma_start3A_25 = tpu.memref_slice %arg3[%select_n3A, %dma_start3A] : memref<2560x128xi32, #tpu.memory_space<hbm>> -> memref<80x128xi32, #tpu.memory_space<hbm>>
      %dma_start3A_26 = arith.constant 0 : i32
      %dma_start3A_27 = tpu.memref_slice %arg3[%select_n3A, %dma_start3A_26] : memref<2560x128xi32, #tpu.memory_space<hbm>> -> memref<80x128xi32, #tpu.memory_space<hbm>>
      tpu.enqueue_dma source(%dma_start3A_27 : memref<80x128xi32, #tpu.memory_space<hbm>>) target(%arg7 : memref<80x128xi32, #tpu.memory_space<vmem>>) target_semaphore(%run_scoped3A : memref<!tpu.dma_semaphore, #tpu.memory_space<semaphore_mem>>)
      %dma_wait3A = arith.constant 0 : i32
      %dma_wait3A_28 = tpu.memref_slice %arg3[%select_n3A, %dma_wait3A] : memref<2560x128xi32, #tpu.memory_space<hbm>> -> memref<80x128xi32, #tpu.memory_space<hbm>>
      %dma_wait3A_29 = arith.constant 0 : i32
      %dma_wait3A_30 = tpu.memref_slice %arg3[%select_n3A, %dma_wait3A_29] : memref<2560x128xi32, #tpu.memory_space<hbm>> -> memref<80x128xi32, #tpu.memory_space<hbm>>
      tpu.wait_dma2 semaphore(%run_scoped3A : memref<!tpu.dma_semaphore, #tpu.memory_space<semaphore_mem>>) src(%dma_wait3A_30 : memref<80x128xi32, #tpu.memory_space<hbm>>) dst(%arg7 : memref<80x128xi32, #tpu.memory_space<vmem>>)
      tpu.yield
    }) : () -> ()
    "tpu.region"() ({
      %run_scoped3A = tpu.sem_alloc : memref<!tpu.dma_semaphore, #tpu.memory_space<semaphore_mem>>
      %dma_start3A = arith.constant 0 : i32
      %dma_start3A_25 = tpu.memref_slice %arg4[%select_n3A, %dma_start3A] : memref<2560x128xi32, #tpu.memory_space<hbm>> -> memref<80x128xi32, #tpu.memory_space<hbm>>
      %dma_start3A_26 = arith.constant 0 : i32
      %dma_start3A_27 = tpu.memref_slice %arg4[%select_n3A, %dma_start3A_26] : memref<2560x128xi32, #tpu.memory_space<hbm>> -> memref<80x128xi32, #tpu.memory_space<hbm>>
      tpu.enqueue_dma source(%dma_start3A_27 : memref<80x128xi32, #tpu.memory_space<hbm>>) target(%arg8 : memref<80x128xi32, #tpu.memory_space<vmem>>) target_semaphore(%run_scoped3A : memref<!tpu.dma_semaphore, #tpu.memory_space<semaphore_mem>>)
      %dma_wait3A = arith.constant 0 : i32
      %dma_wait3A_28 = tpu.memref_slice %arg4[%select_n3A, %dma_wait3A] : memref<2560x128xi32, #tpu.memory_space<hbm>> -> memref<80x128xi32, #tpu.memory_space<hbm>>
      %dma_wait3A_29 = arith.constant 0 : i32
      %dma_wait3A_30 = tpu.memref_slice %arg4[%select_n3A, %dma_wait3A_29] : memref<2560x128xi32, #tpu.memory_space<hbm>> -> memref<80x128xi32, #tpu.memory_space<hbm>>
      tpu.wait_dma2 semaphore(%run_scoped3A : memref<!tpu.dma_semaphore, #tpu.memory_space<semaphore_mem>>) src(%dma_wait3A_30 : memref<80x128xi32, #tpu.memory_space<hbm>>) dst(%arg8 : memref<80x128xi32, #tpu.memory_space<vmem>>)
      tpu.yield
    }) : () -> ()
    %mul3A_9 = arith.constant 640 : i32
    %mul3A_10 = arith.muli %arg1, %mul3A_9 : i32
    "tpu.region"() ({
      %run_scoped3A = tpu.sem_alloc : memref<!tpu.dma_semaphore, #tpu.memory_space<semaphore_mem>>
      %dma_start3A = arith.constant 0 : i32
      %dma_start3A_25 = tpu.memref_slice %arg10[%mul3A_10, %dma_start3A] : memref<10240x128xf32, #tpu.memory_space<vmem_shared>> -> memref<640x128xf32, #tpu.memory_space<vmem_shared>>
      tpu.enqueue_dma source(%arg5 : memref<640x128xf32, #tpu.memory_space<hbm>>) target(%dma_start3A_25 : memref<640x128xf32, #tpu.memory_space<vmem_shared>>) target_semaphore(%run_scoped3A : memref<!tpu.dma_semaphore, #tpu.memory_space<semaphore_mem>>)
      %dma_wait3A = arith.constant 0 : i32
      %dma_wait3A_26 = tpu.memref_slice %arg10[%mul3A_10, %dma_wait3A] : memref<10240x128xf32, #tpu.memory_space<vmem_shared>> -> memref<640x128xf32, #tpu.memory_space<vmem_shared>>
      tpu.wait_dma2 semaphore(%run_scoped3A : memref<!tpu.dma_semaphore, #tpu.memory_space<semaphore_mem>>) src(%arg5 : memref<640x128xf32, #tpu.memory_space<hbm>>) dst(%dma_wait3A_26 : memref<640x128xf32, #tpu.memory_space<vmem_shared>>)
      tpu.yield
    }) : () -> ()
    %barrier3A = arith.constant 0 : index
    tpu.barrier barrier_id(%barrier3A)
    %while3A = arith.constant 0 : i32
    %while3A_11 = arith.constant 0 : i32
    %while3A_12 = arith.subi %select_n3A_8, %while3A_11 : i32
    %while3A_13 = arith.addi %while3A_11, %while3A_12 : i32
    %while3A_14 = arith.constant 1 : i32
    %while3A_15 = arith.divsi %while3A_12, %while3A_14 : i32
    %while3A_16 = arith.muli %while3A_15, %while3A_14 : i32
    %while3A_17 = arith.addi %while3A_11, %while3A_16 : i32
    %while3A_18 = arith.constant 1 : i32
    scf.for %while3A_25 = %while3A_11 to %while3A_17 step %while3A_18  : i32 {
      "tpu.region"() ({
        %run_scoped3A = tpu.sem_alloc : memref<!tpu.dma_semaphore, #tpu.memory_space<semaphore_mem>>
        %dma_start3A = arith.constant 0 : i32
        %dma_start3A_26 = tpu.memref_slice %arg7[%while3A_25, %dma_start3A] : memref<80x128xi32, #tpu.memory_space<vmem>> -> memref<1x128xi32, #tpu.memory_space<vmem>>
        %dma_start3A_27 = tpu.memref_squeeze %dma_start3A_26 : memref<1x128xi32, #tpu.memory_space<vmem>> -> memref<128xi32, #tpu.memory_space<vmem>>
        %dma_start3A_28 = arith.constant 0 : i32
        %dma_start3A_29 = arith.constant 0 : i32
        %dma_start3A_30 = tpu.memref_slice %arg2[%dma_start3A_28, %dma_start3A_29] : memref<10240x128xf32, #tpu.memory_space<hbm>> -> memref<10240x128xf32, #tpu.memory_space<hbm>>
        tpu.enqueue_indirect_dma source(%dma_start3A_30 : memref<10240x128xf32, #tpu.memory_space<hbm>>) target(%arg9 : memref<128x128xf32, #tpu.memory_space<vmem>>) offsets(%dma_start3A_27 : memref<128xi32, #tpu.memory_space<vmem>>) semaphore(%run_scoped3A : memref<!tpu.dma_semaphore, #tpu.memory_space<semaphore_mem>>)
        %dma_wait3A = arith.constant 0 : i32
        %dma_wait3A_31 = tpu.memref_slice %arg7[%while3A_25, %dma_wait3A] : memref<80x128xi32, #tpu.memory_space<vmem>> -> memref<1x128xi32, #tpu.memory_space<vmem>>
        %dma_wait3A_32 = tpu.memref_squeeze %dma_wait3A_31 : memref<1x128xi32, #tpu.memory_space<vmem>> -> memref<128xi32, #tpu.memory_space<vmem>>
        %dma_wait3A_33 = arith.constant 0 : i32
        %dma_wait3A_34 = arith.constant 0 : i32
        %dma_wait3A_35 = tpu.memref_slice %arg2[%dma_wait3A_33, %dma_wait3A_34] : memref<10240x128xf32, #tpu.memory_space<hbm>> -> memref<10240x128xf32, #tpu.memory_space<hbm>>
        tpu.wait_indirect_dma semaphore(%run_scoped3A : memref<!tpu.dma_semaphore, #tpu.memory_space<semaphore_mem>>) src(%dma_wait3A_35 : memref<10240x128xf32, #tpu.memory_space<hbm>>) dst(%arg9 : memref<128x128xf32, #tpu.memory_space<vmem>>)
        tpu.yield
      }) : () -> ()
      "tpu.region"() ({
        %run_scoped3A = tpu.sem_alloc : memref<!tpu.dma_semaphore, #tpu.memory_space<semaphore_mem>>
        %dma_start3A = arith.constant 0 : i32
        %dma_start3A_26 = tpu.memref_slice %arg8[%while3A_25, %dma_start3A] : memref<80x128xi32, #tpu.memory_space<vmem>> -> memref<1x128xi32, #tpu.memory_space<vmem>>
        %dma_start3A_27 = tpu.memref_squeeze %dma_start3A_26 : memref<1x128xi32, #tpu.memory_space<vmem>> -> memref<128xi32, #tpu.memory_space<vmem>>
        %dma_start3A_28 = arith.constant 0 : i32
        %dma_start3A_29 = arith.constant 0 : i32
        %dma_start3A_30 = tpu.memref_slice %arg10[%dma_start3A_28, %dma_start3A_29] : memref<10240x128xf32, #tpu.memory_space<vmem_shared>> -> memref<10240x128xf32, #tpu.memory_space<vmem_shared>>
        tpu.enqueue_indirect_dma source(%arg9 : memref<128x128xf32, #tpu.memory_space<vmem>>) target(%dma_start3A_30 : memref<10240x128xf32, #tpu.memory_space<vmem_shared>>) offsets(%dma_start3A_27 : memref<128xi32, #tpu.memory_space<vmem>>) semaphore(%run_scoped3A : memref<!tpu.dma_semaphore, #tpu.memory_space<semaphore_mem>>) {add = true}
        %dma_wait3A = arith.constant 0 : i32
        %dma_wait3A_31 = tpu.memref_slice %arg8[%while3A_25, %dma_wait3A] : memref<80x128xi32, #tpu.memory_space<vmem>> -> memref<1x128xi32, #tpu.memory_space<vmem>>
        %dma_wait3A_32 = tpu.memref_squeeze %dma_wait3A_31 : memref<1x128xi32, #tpu.memory_space<vmem>> -> memref<128xi32, #tpu.memory_space<vmem>>
        %dma_wait3A_33 = arith.constant 0 : i32
        %dma_wait3A_34 = arith.constant 0 : i32
        %dma_wait3A_35 = tpu.memref_slice %arg10[%dma_wait3A_33, %dma_wait3A_34] : memref<10240x128xf32, #tpu.memory_space<vmem_shared>> -> memref<10240x128xf32, #tpu.memory_space<vmem_shared>>
        tpu.wait_indirect_dma semaphore(%run_scoped3A : memref<!tpu.dma_semaphore, #tpu.memory_space<semaphore_mem>>) src(%arg9 : memref<128x128xf32, #tpu.memory_space<vmem>>) dst(%dma_wait3A_35 : memref<10240x128xf32, #tpu.memory_space<vmem_shared>>)
        tpu.yield
      }) : () -> ()
    }
    %while3A_19 = arith.constant 1 : i32
    scf.for %while3A_25 = %while3A_17 to %while3A_13 step %while3A_19  : i32 {
      "tpu.region"() ({
        %run_scoped3A = tpu.sem_alloc : memref<!tpu.dma_semaphore, #tpu.memory_space<semaphore_mem>>
        %dma_start3A = arith.constant 0 : i32
        %dma_start3A_26 = tpu.memref_slice %arg7[%while3A_25, %dma_start3A] : memref<80x128xi32, #tpu.memory_space<vmem>> -> memref<1x128xi32, #tpu.memory_space<vmem>>
        %dma_start3A_27 = tpu.memref_squeeze %dma_start3A_26 : memref<1x128xi32, #tpu.memory_space<vmem>> -> memref<128xi32, #tpu.memory_space<vmem>>
        %dma_start3A_28 = arith.constant 0 : i32
        %dma_start3A_29 = arith.constant 0 : i32
        %dma_start3A_30 = tpu.memref_slice %arg2[%dma_start3A_28, %dma_start3A_29] : memref<10240x128xf32, #tpu.memory_space<hbm>> -> memref<10240x128xf32, #tpu.memory_space<hbm>>
        tpu.enqueue_indirect_dma source(%dma_start3A_30 : memref<10240x128xf32, #tpu.memory_space<hbm>>) target(%arg9 : memref<128x128xf32, #tpu.memory_space<vmem>>) offsets(%dma_start3A_27 : memref<128xi32, #tpu.memory_space<vmem>>) semaphore(%run_scoped3A : memref<!tpu.dma_semaphore, #tpu.memory_space<semaphore_mem>>)
        %dma_wait3A = arith.constant 0 : i32
        %dma_wait3A_31 = tpu.memref_slice %arg7[%while3A_25, %dma_wait3A] : memref<80x128xi32, #tpu.memory_space<vmem>> -> memref<1x128xi32, #tpu.memory_space<vmem>>
        %dma_wait3A_32 = tpu.memref_squeeze %dma_wait3A_31 : memref<1x128xi32, #tpu.memory_space<vmem>> -> memref<128xi32, #tpu.memory_space<vmem>>
        %dma_wait3A_33 = arith.constant 0 : i32
        %dma_wait3A_34 = arith.constant 0 : i32
        %dma_wait3A_35 = tpu.memref_slice %arg2[%dma_wait3A_33, %dma_wait3A_34] : memref<10240x128xf32, #tpu.memory_space<hbm>> -> memref<10240x128xf32, #tpu.memory_space<hbm>>
        tpu.wait_indirect_dma semaphore(%run_scoped3A : memref<!tpu.dma_semaphore, #tpu.memory_space<semaphore_mem>>) src(%dma_wait3A_35 : memref<10240x128xf32, #tpu.memory_space<hbm>>) dst(%arg9 : memref<128x128xf32, #tpu.memory_space<vmem>>)
        tpu.yield
      }) : () -> ()
      "tpu.region"() ({
        %run_scoped3A = tpu.sem_alloc : memref<!tpu.dma_semaphore, #tpu.memory_space<semaphore_mem>>
        %dma_start3A = arith.constant 0 : i32
        %dma_start3A_26 = tpu.memref_slice %arg8[%while3A_25, %dma_start3A] : memref<80x128xi32, #tpu.memory_space<vmem>> -> memref<1x128xi32, #tpu.memory_space<vmem>>
        %dma_start3A_27 = tpu.memref_squeeze %dma_start3A_26 : memref<1x128xi32, #tpu.memory_space<vmem>> -> memref<128xi32, #tpu.memory_space<vmem>>
        %dma_start3A_28 = arith.constant 0 : i32
        %dma_start3A_29 = arith.constant 0 : i32
        %dma_start3A_30 = tpu.memref_slice %arg10[%dma_start3A_28, %dma_start3A_29] : memref<10240x128xf32, #tpu.memory_space<vmem_shared>> -> memref<10240x128xf32, #tpu.memory_space<vmem_shared>>
        tpu.enqueue_indirect_dma source(%arg9 : memref<128x128xf32, #tpu.memory_space<vmem>>) target(%dma_start3A_30 : memref<10240x128xf32, #tpu.memory_space<vmem_shared>>) offsets(%dma_start3A_27 : memref<128xi32, #tpu.memory_space<vmem>>) semaphore(%run_scoped3A : memref<!tpu.dma_semaphore, #tpu.memory_space<semaphore_mem>>) {add = true}
        %dma_wait3A = arith.constant 0 : i32
        %dma_wait3A_31 = tpu.memref_slice %arg8[%while3A_25, %dma_wait3A] : memref<80x128xi32, #tpu.memory_space<vmem>> -> memref<1x128xi32, #tpu.memory_space<vmem>>
        %dma_wait3A_32 = tpu.memref_squeeze %dma_wait3A_31 : memref<1x128xi32, #tpu.memory_space<vmem>> -> memref<128xi32, #tpu.memory_space<vmem>>
        %dma_wait3A_33 = arith.constant 0 : i32
        %dma_wait3A_34 = arith.constant 0 : i32
        %dma_wait3A_35 = tpu.memref_slice %arg10[%dma_wait3A_33, %dma_wait3A_34] : memref<10240x128xf32, #tpu.memory_space<vmem_shared>> -> memref<10240x128xf32, #tpu.memory_space<vmem_shared>>
        tpu.wait_indirect_dma semaphore(%run_scoped3A : memref<!tpu.dma_semaphore, #tpu.memory_space<semaphore_mem>>) src(%arg9 : memref<128x128xf32, #tpu.memory_space<vmem>>) dst(%dma_wait3A_35 : memref<10240x128xf32, #tpu.memory_space<vmem_shared>>)
        tpu.yield
      }) : () -> ()
    }
    %barrier3A_20 = arith.constant 0 : index
    tpu.barrier barrier_id(%barrier3A_20)
    %mul3A_21 = arith.constant 640 : i32
    %mul3A_22 = arith.muli %arg1, %mul3A_21 : i32
    %mul3A_23 = arith.constant 640 : i32
    %mul3A_24 = arith.muli %arg1, %mul3A_23 : i32
    "tpu.region"() ({
      %run_scoped3A = tpu.sem_alloc : memref<!tpu.dma_semaphore, #tpu.memory_space<semaphore_mem>>
      %dma_start3A = arith.constant 0 : i32
      %dma_start3A_25 = tpu.memref_slice %arg6[%arg0, %mul3A_24, %dma_start3A] : memref<2x10240x128xf32, #tpu.memory_space<hbm>> -> memref<1x640x128xf32, #tpu.memory_space<hbm>>
      %dma_start3A_26 = tpu.memref_squeeze %dma_start3A_25 : memref<1x640x128xf32, #tpu.memory_space<hbm>> -> memref<640x128xf32, #tpu.memory_space<hbm>>
      %dma_start3A_27 = arith.constant 0 : i32
      %dma_start3A_28 = tpu.memref_slice %arg10[%mul3A_22, %dma_start3A_27] : memref<10240x128xf32, #tpu.memory_space<vmem_shared>> -> memref<640x128xf32, #tpu.memory_space<vmem_shared>>
      tpu.enqueue_dma source(%dma_start3A_28 : memref<640x128xf32, #tpu.memory_space<vmem_shared>>) target(%dma_start3A_26 : memref<640x128xf32, #tpu.memory_space<hbm>>) target_semaphore(%run_scoped3A : memref<!tpu.dma_semaphore, #tpu.memory_space<semaphore_mem>>)
      %dma_wait3A = arith.constant 0 : i32
      %dma_wait3A_29 = tpu.memref_slice %arg6[%arg0, %mul3A_24, %dma_wait3A] : memref<2x10240x128xf32, #tpu.memory_space<hbm>> -> memref<1x640x128xf32, #tpu.memory_space<hbm>>
      %dma_wait3A_30 = tpu.memref_squeeze %dma_wait3A_29 : memref<1x640x128xf32, #tpu.memory_space<hbm>> -> memref<640x128xf32, #tpu.memory_space<hbm>>
      %dma_wait3A_31 = arith.constant 0 : i32
      %dma_wait3A_32 = tpu.memref_slice %arg10[%mul3A_22, %dma_wait3A_31] : memref<10240x128xf32, #tpu.memory_space<vmem_shared>> -> memref<640x128xf32, #tpu.memory_space<vmem_shared>>
      tpu.wait_dma2 semaphore(%run_scoped3A : memref<!tpu.dma_semaphore, #tpu.memory_space<semaphore_mem>>) src(%dma_wait3A_32 : memref<640x128xf32, #tpu.memory_space<vmem_shared>>) dst(%dma_wait3A_30 : memref<640x128xf32, #tpu.memory_space<hbm>>)
      tpu.yield
    }) : () -> ()
    return
  }
}

#map = affine_map<(d0, d1) -> (0, 0)>
#map1 = affine_map<(d0, d1) -> (0, 0, 0)>
module attributes {stable_mosaic.version = 14 : i64} {
  func.func @k(%arg0: i32, %arg1: i32, %arg2: memref<10240x128xf32, #tpu.memory_space<hbm>>, %arg3: memref<2560x128xi32, #tpu.memory_space<hbm>>, %arg4: memref<2560x128xi32, #tpu.memory_space<hbm>>, %arg5: memref<640x128xf32, #tpu.memory_space<hbm>>, %arg6: memref<2x10240x128xf32, #tpu.memory_space<hbm>>, %arg7: memref<80x128xi32, #tpu.memory_space<vmem>>, %arg8: memref<80x128xi32, #tpu.memory_space<vmem>>, %arg9: memref<128x128xf32, #tpu.memory_space<vmem>>, %arg10: memref<10240x128xf32, #tpu.memory_space<vmem_shared>>) attributes {dimension_semantics = [#tpu.dimension_semantics<core_parallel>, #tpu.dimension_semantics<subcore_parallel>], iteration_bounds = array<i64: 2, 16>, scalar_prefetch = 0 : i64, scratch_operands = 4 : i64, tpu.core_type = #tpu.core_type<sc_vector_subcore>, window_params = [{transform_indices = #map}, {transform_indices = #map}, {transform_indices = #map}, {transform_indices = #map}, {transform_indices = #map1}]} {
    %eq3A = arith.constant 0 : i32
    %eq3A_0 = arith.cmpi eq, %arg0, %eq3A : i32
    %mul3A = arith.constant 80 : i32
    %mul3A_1 = arith.muli %arg1, %mul3A : i32
    %mul3A_2 = arith.constant 80 : i32
    %mul3A_3 = arith.muli %arg1, %mul3A_2 : i32
    %add3A = arith.constant 1280 : i32
    %add3A_4 = arith.addi %add3A, %mul3A_3 : i32
    %select_n3A = arith.select %eq3A_0, %mul3A_1, %add3A_4 : i32
    %eq3A_5 = arith.constant 0 : i32
    %eq3A_6 = arith.cmpi eq, %arg0, %eq3A_5 : i32
    %jit3A = arith.constant 80 : i32
    %jit3A_7 = arith.constant 80 : i32
    %select_n3A_8 = arith.select %eq3A_6, %jit3A, %jit3A_7 : i32
    "tpu.region"() ({
      %run_scoped3A = tpu.sem_alloc : memref<!tpu.dma_semaphore, #tpu.memory_space<semaphore_mem>>
      %dma_start3A = arith.constant 0 : i32
      %dma_start3A_25 = tpu.memref_slice %arg3[%select_n3A, %dma_start3A] : memref<2560x128xi32, #tpu.memory_space<hbm>> -> memref<80x128xi32, #tpu.memory_space<hbm>>
      %dma_start3A_26 = arith.constant 0 : i32
      %dma_start3A_27 = tpu.memref_slice %arg3[%select_n3A, %dma_start3A_26] : memref<2560x128xi32, #tpu.memory_space<hbm>> -> memref<80x128xi32, #tpu.memory_space<hbm>>
      tpu.enqueue_dma source(%dma_start3A_27 : memref<80x128xi32, #tpu.memory_space<hbm>>) target(%arg7 : memref<80x128xi32, #tpu.memory_space<vmem>>) target_semaphore(%run_scoped3A : memref<!tpu.dma_semaphore, #tpu.memory_space<semaphore_mem>>)
      %dma_wait3A = arith.constant 0 : i32
      %dma_wait3A_28 = tpu.memref_slice %arg3[%select_n3A, %dma_wait3A] : memref<2560x128xi32, #tpu.memory_space<hbm>> -> memref<80x128xi32, #tpu.memory_space<hbm>>
      %dma_wait3A_29 = arith.constant 0 : i32
      %dma_wait3A_30 = tpu.memref_slice %arg3[%select_n3A, %dma_wait3A_29] : memref<2560x128xi32, #tpu.memory_space<hbm>> -> memref<80x128xi32, #tpu.memory_space<hbm>>
      tpu.wait_dma2 semaphore(%run_scoped3A : memref<!tpu.dma_semaphore, #tpu.memory_space<semaphore_mem>>) src(%dma_wait3A_30 : memref<80x128xi32, #tpu.memory_space<hbm>>) dst(%arg7 : memref<80x128xi32, #tpu.memory_space<vmem>>)
      tpu.yield
    }) : () -> ()
    "tpu.region"() ({
      %run_scoped3A = tpu.sem_alloc : memref<!tpu.dma_semaphore, #tpu.memory_space<semaphore_mem>>
      %dma_start3A = arith.constant 0 : i32
      %dma_start3A_25 = tpu.memref_slice %arg4[%select_n3A, %dma_start3A] : memref<2560x128xi32, #tpu.memory_space<hbm>> -> memref<80x128xi32, #tpu.memory_space<hbm>>
      %dma_start3A_26 = arith.constant 0 : i32
      %dma_start3A_27 = tpu.memref_slice %arg4[%select_n3A, %dma_start3A_26] : memref<2560x128xi32, #tpu.memory_space<hbm>> -> memref<80x128xi32, #tpu.memory_space<hbm>>
      tpu.enqueue_dma source(%dma_start3A_27 : memref<80x128xi32, #tpu.memory_space<hbm>>) target(%arg8 : memref<80x128xi32, #tpu.memory_space<vmem>>) target_semaphore(%run_scoped3A : memref<!tpu.dma_semaphore, #tpu.memory_space<semaphore_mem>>)
      %dma_wait3A = arith.constant 0 : i32
      %dma_wait3A_28 = tpu.memref_slice %arg4[%select_n3A, %dma_wait3A] : memref<2560x128xi32, #tpu.memory_space<hbm>> -> memref<80x128xi32, #tpu.memory_space<hbm>>
      %dma_wait3A_29 = arith.constant 0 : i32
      %dma_wait3A_30 = tpu.memref_slice %arg4[%select_n3A, %dma_wait3A_29] : memref<2560x128xi32, #tpu.memory_space<hbm>> -> memref<80x128xi32, #tpu.memory_space<hbm>>
      tpu.wait_dma2 semaphore(%run_scoped3A : memref<!tpu.dma_semaphore, #tpu.memory_space<semaphore_mem>>) src(%dma_wait3A_30 : memref<80x128xi32, #tpu.memory_space<hbm>>) dst(%arg8 : memref<80x128xi32, #tpu.memory_space<vmem>>)
      tpu.yield
    }) : () -> ()
    %mul3A_9 = arith.constant 640 : i32
    %mul3A_10 = arith.muli %arg1, %mul3A_9 : i32
    "tpu.region"() ({
      %run_scoped3A = tpu.sem_alloc : memref<!tpu.dma_semaphore, #tpu.memory_space<semaphore_mem>>
      %dma_start3A = arith.constant 0 : i32
      %dma_start3A_25 = tpu.memref_slice %arg10[%mul3A_10, %dma_start3A] : memref<10240x128xf32, #tpu.memory_space<vmem_shared>> -> memref<640x128xf32, #tpu.memory_space<vmem_shared>>
      tpu.enqueue_dma source(%arg5 : memref<640x128xf32, #tpu.memory_space<hbm>>) target(%dma_start3A_25 : memref<640x128xf32, #tpu.memory_space<vmem_shared>>) target_semaphore(%run_scoped3A : memref<!tpu.dma_semaphore, #tpu.memory_space<semaphore_mem>>)
      %dma_wait3A = arith.constant 0 : i32
      %dma_wait3A_26 = tpu.memref_slice %arg10[%mul3A_10, %dma_wait3A] : memref<10240x128xf32, #tpu.memory_space<vmem_shared>> -> memref<640x128xf32, #tpu.memory_space<vmem_shared>>
      tpu.wait_dma2 semaphore(%run_scoped3A : memref<!tpu.dma_semaphore, #tpu.memory_space<semaphore_mem>>) src(%arg5 : memref<640x128xf32, #tpu.memory_space<hbm>>) dst(%dma_wait3A_26 : memref<640x128xf32, #tpu.memory_space<vmem_shared>>)
      tpu.yield
    }) : () -> ()
    %barrier3A = arith.constant 0 : index
    tpu.barrier barrier_id(%barrier3A)
    %while3A = arith.constant 0 : i32
    %while3A_11 = arith.constant 0 : i32
    %while3A_12 = arith.subi %select_n3A_8, %while3A_11 : i32
    %while3A_13 = arith.addi %while3A_11, %while3A_12 : i32
    %while3A_14 = arith.constant 1 : i32
    %while3A_15 = arith.divsi %while3A_12, %while3A_14 : i32
    %while3A_16 = arith.muli %while3A_15, %while3A_14 : i32
    %while3A_17 = arith.addi %while3A_11, %while3A_16 : i32
    %while3A_18 = arith.constant 1 : i32
    scf.for %while3A_25 = %while3A_11 to %while3A_17 step %while3A_18  : i32 {
      "tpu.region"() ({
        %run_scoped3A = tpu.sem_alloc : memref<!tpu.dma_semaphore, #tpu.memory_space<semaphore_mem>>
        %dma_start3A = arith.constant 0 : i32
        %dma_start3A_26 = tpu.memref_slice %arg7[%while3A_25, %dma_start3A] : memref<80x128xi32, #tpu.memory_space<vmem>> -> memref<1x128xi32, #tpu.memory_space<vmem>>
        %dma_start3A_27 = tpu.memref_squeeze %dma_start3A_26 : memref<1x128xi32, #tpu.memory_space<vmem>> -> memref<128xi32, #tpu.memory_space<vmem>>
        %dma_start3A_28 = arith.constant 0 : i32
        %dma_start3A_29 = arith.constant 0 : i32
        %dma_start3A_30 = tpu.memref_slice %arg2[%dma_start3A_28, %dma_start3A_29] : memref<10240x128xf32, #tpu.memory_space<hbm>> -> memref<10240x128xf32, #tpu.memory_space<hbm>>
        tpu.enqueue_indirect_dma source(%dma_start3A_30 : memref<10240x128xf32, #tpu.memory_space<hbm>>) target(%arg9 : memref<128x128xf32, #tpu.memory_space<vmem>>) offsets(%dma_start3A_27 : memref<128xi32, #tpu.memory_space<vmem>>) semaphore(%run_scoped3A : memref<!tpu.dma_semaphore, #tpu.memory_space<semaphore_mem>>)
        %dma_wait3A = arith.constant 0 : i32
        %dma_wait3A_31 = tpu.memref_slice %arg7[%while3A_25, %dma_wait3A] : memref<80x128xi32, #tpu.memory_space<vmem>> -> memref<1x128xi32, #tpu.memory_space<vmem>>
        %dma_wait3A_32 = tpu.memref_squeeze %dma_wait3A_31 : memref<1x128xi32, #tpu.memory_space<vmem>> -> memref<128xi32, #tpu.memory_space<vmem>>
        %dma_wait3A_33 = arith.constant 0 : i32
        %dma_wait3A_34 = arith.constant 0 : i32
        %dma_wait3A_35 = tpu.memref_slice %arg2[%dma_wait3A_33, %dma_wait3A_34] : memref<10240x128xf32, #tpu.memory_space<hbm>> -> memref<10240x128xf32, #tpu.memory_space<hbm>>
        tpu.wait_indirect_dma semaphore(%run_scoped3A : memref<!tpu.dma_semaphore, #tpu.memory_space<semaphore_mem>>) src(%dma_wait3A_35 : memref<10240x128xf32, #tpu.memory_space<hbm>>) dst(%arg9 : memref<128x128xf32, #tpu.memory_space<vmem>>)
        tpu.yield
      }) : () -> ()
      "tpu.region"() ({
        %run_scoped3A = tpu.sem_alloc : memref<!tpu.dma_semaphore, #tpu.memory_space<semaphore_mem>>
        %dma_start3A = arith.constant 0 : i32
        %dma_start3A_26 = tpu.memref_slice %arg8[%while3A_25, %dma_start3A] : memref<80x128xi32, #tpu.memory_space<vmem>> -> memref<1x128xi32, #tpu.memory_space<vmem>>
        %dma_start3A_27 = tpu.memref_squeeze %dma_start3A_26 : memref<1x128xi32, #tpu.memory_space<vmem>> -> memref<128xi32, #tpu.memory_space<vmem>>
        %dma_start3A_28 = arith.constant 0 : i32
        %dma_start3A_29 = arith.constant 0 : i32
        %dma_start3A_30 = tpu.memref_slice %arg10[%dma_start3A_28, %dma_start3A_29] : memref<10240x128xf32, #tpu.memory_space<vmem_shared>> -> memref<10240x128xf32, #tpu.memory_space<vmem_shared>>
        tpu.enqueue_indirect_dma source(%arg9 : memref<128x128xf32, #tpu.memory_space<vmem>>) target(%dma_start3A_30 : memref<10240x128xf32, #tpu.memory_space<vmem_shared>>) offsets(%dma_start3A_27 : memref<128xi32, #tpu.memory_space<vmem>>) semaphore(%run_scoped3A : memref<!tpu.dma_semaphore, #tpu.memory_space<semaphore_mem>>) {add = true}
        %dma_wait3A = arith.constant 0 : i32
        %dma_wait3A_31 = tpu.memref_slice %arg8[%while3A_25, %dma_wait3A] : memref<80x128xi32, #tpu.memory_space<vmem>> -> memref<1x128xi32, #tpu.memory_space<vmem>>
        %dma_wait3A_32 = tpu.memref_squeeze %dma_wait3A_31 : memref<1x128xi32, #tpu.memory_space<vmem>> -> memref<128xi32, #tpu.memory_space<vmem>>
        %dma_wait3A_33 = arith.constant 0 : i32
        %dma_wait3A_34 = arith.constant 0 : i32
        %dma_wait3A_35 = tpu.memref_slice %arg10[%dma_wait3A_33, %dma_wait3A_34] : memref<10240x128xf32, #tpu.memory_space<vmem_shared>> -> memref<10240x128xf32, #tpu.memory_space<vmem_shared>>
        tpu.wait_indirect_dma semaphore(%run_scoped3A : memref<!tpu.dma_semaphore, #tpu.memory_space<semaphore_mem>>) src(%arg9 : memref<128x128xf32, #tpu.memory_space<vmem>>) dst(%dma_wait3A_35 : memref<10240x128xf32, #tpu.memory_space<vmem_shared>>)
        tpu.yield
      }) : () -> ()
    }
    %while3A_19 = arith.constant 1 : i32
    scf.for %while3A_25 = %while3A_17 to %while3A_13 step %while3A_19  : i32 {
      "tpu.region"() ({
        %run_scoped3A = tpu.sem_alloc : memref<!tpu.dma_semaphore, #tpu.memory_space<semaphore_mem>>
        %dma_start3A = arith.constant 0 : i32
        %dma_start3A_26 = tpu.memref_slice %arg7[%while3A_25, %dma_start3A] : memref<80x128xi32, #tpu.memory_space<vmem>> -> memref<1x128xi32, #tpu.memory_space<vmem>>
        %dma_start3A_27 = tpu.memref_squeeze %dma_start3A_26 : memref<1x128xi32, #tpu.memory_space<vmem>> -> memref<128xi32, #tpu.memory_space<vmem>>
        %dma_start3A_28 = arith.constant 0 : i32
        %dma_start3A_29 = arith.constant 0 : i32
        %dma_start3A_30 = tpu.memref_slice %arg2[%dma_start3A_28, %dma_start3A_29] : memref<10240x128xf32, #tpu.memory_space<hbm>> -> memref<10240x128xf32, #tpu.memory_space<hbm>>
        tpu.enqueue_indirect_dma source(%dma_start3A_30 : memref<10240x128xf32, #tpu.memory_space<hbm>>) target(%arg9 : memref<128x128xf32, #tpu.memory_space<vmem>>) offsets(%dma_start3A_27 : memref<128xi32, #tpu.memory_space<vmem>>) semaphore(%run_scoped3A : memref<!tpu.dma_semaphore, #tpu.memory_space<semaphore_mem>>)
        %dma_wait3A = arith.constant 0 : i32
        %dma_wait3A_31 = tpu.memref_slice %arg7[%while3A_25, %dma_wait3A] : memref<80x128xi32, #tpu.memory_space<vmem>> -> memref<1x128xi32, #tpu.memory_space<vmem>>
        %dma_wait3A_32 = tpu.memref_squeeze %dma_wait3A_31 : memref<1x128xi32, #tpu.memory_space<vmem>> -> memref<128xi32, #tpu.memory_space<vmem>>
        %dma_wait3A_33 = arith.constant 0 : i32
        %dma_wait3A_34 = arith.constant 0 : i32
        %dma_wait3A_35 = tpu.memref_slice %arg2[%dma_wait3A_33, %dma_wait3A_34] : memref<10240x128xf32, #tpu.memory_space<hbm>> -> memref<10240x128xf32, #tpu.memory_space<hbm>>
        tpu.wait_indirect_dma semaphore(%run_scoped3A : memref<!tpu.dma_semaphore, #tpu.memory_space<semaphore_mem>>) src(%dma_wait3A_35 : memref<10240x128xf32, #tpu.memory_space<hbm>>) dst(%arg9 : memref<128x128xf32, #tpu.memory_space<vmem>>)
        tpu.yield
      }) : () -> ()
      "tpu.region"() ({
        %run_scoped3A = tpu.sem_alloc : memref<!tpu.dma_semaphore, #tpu.memory_space<semaphore_mem>>
        %dma_start3A = arith.constant 0 : i32
        %dma_start3A_26 = tpu.memref_slice %arg8[%while3A_25, %dma_start3A] : memref<80x128xi32, #tpu.memory_space<vmem>> -> memref<1x128xi32, #tpu.memory_space<vmem>>
        %dma_start3A_27 = tpu.memref_squeeze %dma_start3A_26 : memref<1x128xi32, #tpu.memory_space<vmem>> -> memref<128xi32, #tpu.memory_space<vmem>>
        %dma_start3A_28 = arith.constant 0 : i32
        %dma_start3A_29 = arith.constant 0 : i32
        %dma_start3A_30 = tpu.memref_slice %arg10[%dma_start3A_28, %dma_start3A_29] : memref<10240x128xf32, #tpu.memory_space<vmem_shared>> -> memref<10240x128xf32, #tpu.memory_space<vmem_shared>>
        tpu.enqueue_indirect_dma source(%arg9 : memref<128x128xf32, #tpu.memory_space<vmem>>) target(%dma_start3A_30 : memref<10240x128xf32, #tpu.memory_space<vmem_shared>>) offsets(%dma_start3A_27 : memref<128xi32, #tpu.memory_space<vmem>>) semaphore(%run_scoped3A : memref<!tpu.dma_semaphore, #tpu.memory_space<semaphore_mem>>) {add = true}
        %dma_wait3A = arith.constant 0 : i32
        %dma_wait3A_31 = tpu.memref_slice %arg8[%while3A_25, %dma_wait3A] : memref<80x128xi32, #tpu.memory_space<vmem>> -> memref<1x128xi32, #tpu.memory_space<vmem>>
        %dma_wait3A_32 = tpu.memref_squeeze %dma_wait3A_31 : memref<1x128xi32, #tpu.memory_space<vmem>> -> memref<128xi32, #tpu.memory_space<vmem>>
        %dma_wait3A_33 = arith.constant 0 : i32
        %dma_wait3A_34 = arith.constant 0 : i32
        %dma_wait3A_35 = tpu.memref_slice %arg10[%dma_wait3A_33, %dma_wait3A_34] : memref<10240x128xf32, #tpu.memory_space<vmem_shared>> -> memref<10240x128xf32, #tpu.memory_space<vmem_shared>>
        tpu.wait_indirect_dma semaphore(%run_scoped3A : memref<!tpu.dma_semaphore, #tpu.memory_space<semaphore_mem>>) src(%arg9 : memref<128x128xf32, #tpu.memory_space<vmem>>) dst(%dma_wait3A_35 : memref<10240x128xf32, #tpu.memory_space<vmem_shared>>)
        tpu.yield
      }) : () -> ()
    }
    %barrier3A_20 = arith.constant 0 : index
    tpu.barrier barrier_id(%barrier3A_20)
    %mul3A_21 = arith.constant 640 : i32
    %mul3A_22 = arith.muli %arg1, %mul3A_21 : i32
    %mul3A_23 = arith.constant 640 : i32
    %mul3A_24 = arith.muli %arg1, %mul3A_23 : i32
    "tpu.region"() ({
      %run_scoped3A = tpu.sem_alloc : memref<!tpu.dma_semaphore, #tpu.memory_space<semaphore_mem>>
      %dma_start3A = arith.constant 0 : i32
      %dma_start3A_25 = tpu.memref_slice %arg6[%arg0, %mul3A_24, %dma_start3A] : memref<2x10240x128xf32, #tpu.memory_space<hbm>> -> memref<1x640x128xf32, #tpu.memory_space<hbm>>
      %dma_start3A_26 = tpu.memref_squeeze %dma_start3A_25 : memref<1x640x128xf32, #tpu.memory_space<hbm>> -> memref<640x128xf32, #tpu.memory_space<hbm>>
      %dma_start3A_27 = arith.constant 0 : i32
      %dma_start3A_28 = tpu.memref_slice %arg10[%mul3A_22, %dma_start3A_27] : memref<10240x128xf32, #tpu.memory_space<vmem_shared>> -> memref<640x128xf32, #tpu.memory_space<vmem_shared>>
      tpu.enqueue_dma source(%dma_start3A_28 : memref<640x128xf32, #tpu.memory_space<vmem_shared>>) target(%dma_start3A_26 : memref<640x128xf32, #tpu.memory_space<hbm>>) target_semaphore(%run_scoped3A : memref<!tpu.dma_semaphore, #tpu.memory_space<semaphore_mem>>)
      %dma_wait3A = arith.constant 0 : i32
      %dma_wait3A_29 = tpu.memref_slice %arg6[%arg0, %mul3A_24, %dma_wait3A] : memref<2x10240x128xf32, #tpu.memory_space<hbm>> -> memref<1x640x128xf32, #tpu.memory_space<hbm>>
      %dma_wait3A_30 = tpu.memref_squeeze %dma_wait3A_29 : memref<1x640x128xf32, #tpu.memory_space<hbm>> -> memref<640x128xf32, #tpu.memory_space<hbm>>
      %dma_wait3A_31 = arith.constant 0 : i32
      %dma_wait3A_32 = tpu.memref_slice %arg10[%mul3A_22, %dma_wait3A_31] : memref<10240x128xf32, #tpu.memory_space<vmem_shared>> -> memref<640x128xf32, #tpu.memory_space<vmem_shared>>
      tpu.wait_dma2 semaphore(%run_scoped3A : memref<!tpu.dma_semaphore, #tpu.memory_space<semaphore_mem>>) src(%dma_wait3A_32 : memref<640x128xf32, #tpu.memory_space<vmem_shared>>) dst(%dma_wait3A_30 : memref<640x128xf32, #tpu.memory_space<hbm>>)
      tpu.yield
    }) : () -> ()
    return
  }
}

module attributes {stable_mosaic.version = 14 : i64} {
  func.func @body(%arg0: i32, %arg1: memref<32x1024xf32, #tpu.memory_space<vmem>>, %arg2: memref<1x1024xf32, #tpu.memory_space<vmem>>) attributes {dimension_semantics = [#tpu.dimension_semantics<arbitrary>], iteration_bounds = array<i64: 20>, scalar_prefetch = 0 : i64, scratch_operands = 0 : i64, tpu.core_type = #tpu.core_type<tc>, window_params = [{transform_indices = @transform_0, window_bounds = array<i64: 32, 1024>}, {transform_indices = @transform_1, window_bounds = array<i64: 1, 1024>}]} {
    %get3A = arith.constant 0 : index
    %get3A_0 = arith.constant 0 : index
    %get3A_1 = vector.load %arg1[%get3A, %get3A_0] : memref<32x1024xf32, #tpu.memory_space<vmem>>, vector<32x1024xf32>
    %reduce_sum3A = arith.constant dense<0.000000e+00> : vector<1024xf32>
    %reduce_sum3A_2 = vector.multi_reduction <add>, %get3A_1, %reduce_sum3A [0] : vector<32x1024xf32> to vector<1024xf32>
    %broadcast_in_dim3A = vector.shape_cast %reduce_sum3A_2 : vector<1024xf32> to vector<1x1024xf32>
    %max3A = arith.constant 1.000000e+00 : f32
    %max3A_3 = vector.broadcast %max3A : f32 to vector<1x1024xf32>
    %max3A_4 = arith.maximumf %broadcast_in_dim3A, %max3A_3 : vector<1x1024xf32>
    %rsqrt3A = math.rsqrt %max3A_4 : vector<1x1024xf32>
    %swap3A = arith.constant 0 : index
    %swap3A_5 = arith.constant 0 : index
    %swap3A_6 = vector.load %arg2[%swap3A, %swap3A_5] : memref<1x1024xf32, #tpu.memory_space<vmem>>, vector<1x1024xf32>
    tpu.vector_store %arg2[%swap3A, %swap3A_5], %rsqrt3A {strides = array<i32>} : memref<1x1024xf32, #tpu.memory_space<vmem>>, vector<1x1024xf32>,
    return
  }
  func.func @transform_0(%arg0: i32) -> (i32, i32) {
    %c0_i32 = arith.constant 0 : i32
    %c0_i32_0 = arith.constant 0 : i32
    return %c0_i32, %arg0 : i32, i32
  }
  func.func @transform_1(%arg0: i32) -> (i32, i32) {
    %c0_i32 = arith.constant 0 : i32
    %c0_i32_0 = arith.constant 0 : i32
    return %c0_i32, %arg0 : i32, i32
  }
}

module attributes {stable_mosaic.version = 14 : i64} {
  func.func @body(%arg0: i32, %arg1: memref<512x128xf32, #tpu.memory_space<vmem>>, %arg2: memref<512x1xf32, #tpu.memory_space<vmem>>, %arg3: memref<512x128xf32, #tpu.memory_space<vmem>>) attributes {dimension_semantics = [#tpu.dimension_semantics<arbitrary>], iteration_bounds = array<i64: 20>, scalar_prefetch = 0 : i64, scratch_operands = 0 : i64, tpu.core_type = #tpu.core_type<tc>, window_params = [{transform_indices = @transform_0, window_bounds = array<i64: 512, 128>}, {transform_indices = @transform_1, window_bounds = array<i64: 512, 1>}, {transform_indices = @transform_2, window_bounds = array<i64: 512, 128>}]} {
    %get3A = arith.constant 0 : index
    %get3A_0 = arith.constant 0 : index
    %get3A_1 = vector.load %arg1[%get3A, %get3A_0] : memref<512x128xf32, #tpu.memory_space<vmem>>, vector<512x128xf32>
    %get3A_2 = arith.constant 0 : index
    %get3A_3 = arith.constant 0 : index
    %get3A_4 = vector.load %arg2[%get3A_2, %get3A_3] : memref<512x1xf32, #tpu.memory_space<vmem>>, vector<512x1xf32>
    %mul3A = vector.broadcast %get3A_4 : vector<512x1xf32> to vector<512x128xf32>
    %mul3A_5 = arith.mulf %get3A_1, %mul3A : vector<512x128xf32>
    %swap3A = arith.constant 0 : index
    %swap3A_6 = arith.constant 0 : index
    %swap3A_7 = vector.load %arg3[%swap3A, %swap3A_6] : memref<512x128xf32, #tpu.memory_space<vmem>>, vector<512x128xf32>
    tpu.vector_store %arg3[%swap3A, %swap3A_6], %mul3A_5 {strides = array<i32>} : memref<512x128xf32, #tpu.memory_space<vmem>>, vector<512x128xf32>,
    return
  }
  func.func @transform_0(%arg0: i32) -> (i32, i32) {
    %c0_i32 = arith.constant 0 : i32
    %c0_i32_0 = arith.constant 0 : i32
    return %arg0, %c0_i32 : i32, i32
  }
  func.func @transform_1(%arg0: i32) -> (i32, i32) {
    %c0_i32 = arith.constant 0 : i32
    %c0_i32_0 = arith.constant 0 : i32
    return %arg0, %c0_i32 : i32, i32
  }
  func.func @transform_2(%arg0: i32) -> (i32, i32) {
    %c0_i32 = arith.constant 0 : i32
    %c0_i32_0 = arith.constant 0 : i32
    return %arg0, %c0_i32 : i32, i32
  }
}

module attributes {stable_mosaic.version = 14 : i64} {
  func.func @body(%arg0: i32, %arg1: memref<2x512x128xf32, #tpu.memory_space<vmem>>, %arg2: memref<512x1xf32, #tpu.memory_space<vmem>>, %arg3: memref<512x1xf32, #tpu.memory_space<vmem>>, %arg4: memref<128x128xf32, #tpu.memory_space<vmem>>, %arg5: memref<1x128xf32, #tpu.memory_space<vmem>>, %arg6: memref<512x128xf32, #tpu.memory_space<vmem>>) attributes {dimension_semantics = [#tpu.dimension_semantics<arbitrary>], iteration_bounds = array<i64: 20>, scalar_prefetch = 0 : i64, scratch_operands = 0 : i64, tpu.core_type = #tpu.core_type<tc>, window_params = [{transform_indices = @transform_0, window_bounds = array<i64: 2, 512, 128>}, {transform_indices = @transform_1, window_bounds = array<i64: 512, 1>}, {transform_indices = @transform_2, window_bounds = array<i64: 512, 1>}, {pipeline_mode = #tpu.pipeline_mode<synchronous>, transform_indices = @transform_3, window_bounds = array<i64: 128, 128>}, {pipeline_mode = #tpu.pipeline_mode<synchronous>, transform_indices = @transform_4, window_bounds = array<i64: 1, 128>}, {transform_indices = @transform_5, window_bounds = array<i64: 512, 128>}]} {
    %get3A = arith.constant 0 : index
    %get3A_0 = arith.constant 0 : index
    %get3A_1 = arith.constant 0 : index
    %get3A_2 = vector.load %arg1[%get3A, %get3A_0, %get3A_1] : memref<2x512x128xf32, #tpu.memory_space<vmem>>, vector<1x512x128xf32>
    %get3A_3 = vector.shape_cast %get3A_2 : vector<1x512x128xf32> to vector<512x128xf32>
    %get3A_4 = arith.constant 1 : index
    %get3A_5 = arith.constant 0 : index
    %get3A_6 = arith.constant 0 : index
    %get3A_7 = vector.load %arg1[%get3A_4, %get3A_5, %get3A_6] : memref<2x512x128xf32, #tpu.memory_space<vmem>>, vector<1x512x128xf32>
    %get3A_8 = vector.shape_cast %get3A_7 : vector<1x512x128xf32> to vector<512x128xf32>
    %add3A = arith.addf %get3A_3, %get3A_8 : vector<512x128xf32>
    %get3A_9 = arith.constant 0 : index
    %get3A_10 = arith.constant 0 : index
    %get3A_11 = vector.load %arg2[%get3A_9, %get3A_10] : memref<512x1xf32, #tpu.memory_space<vmem>>, vector<512x1xf32>
    %mul3A = vector.broadcast %get3A_11 : vector<512x1xf32> to vector<512x128xf32>
    %mul3A_12 = arith.mulf %add3A, %mul3A : vector<512x128xf32>
    %get3A_13 = arith.constant 0 : index
    %get3A_14 = arith.constant 0 : index
    %get3A_15 = vector.load %arg4[%get3A_13, %get3A_14] : memref<128x128xf32, #tpu.memory_space<vmem>>, vector<128x128xf32>
    %dot_general3A = arith.constant dense<0.000000e+00> : vector<512x128xf32>
    %dot_general3A_16 = tpu.matmul %mul3A_12, %get3A_15, %dot_general3A {dimension_numbers = #tpu.dot_dimension_numbers<[1], [0], [0], [1], [0, 0, 1, 1], [], []>, transpose_lhs_hint = false} : vector<512x128xf32>, vector<128x128xf32>, vector<512x128xf32> -> vector<512x128xf32>
    %get3A_17 = arith.constant 0 : index
    %get3A_18 = arith.constant 0 : index
    %get3A_19 = vector.load %arg5[%get3A_17, %get3A_18] : memref<1x128xf32, #tpu.memory_space<vmem>>, vector<1x128xf32>
    %add3A_20 = vector.broadcast %get3A_19 : vector<1x128xf32> to vector<512x128xf32>
    %add3A_21 = arith.addf %dot_general3A_16, %add3A_20 : vector<512x128xf32>
    %max3A = arith.constant 0.000000e+00 : f32
    %max3A_22 = vector.broadcast %max3A : f32 to vector<512x128xf32>
    %max3A_23 = arith.maximumf %add3A_21, %max3A_22 : vector<512x128xf32>
    %get3A_24 = arith.constant 0 : index
    %get3A_25 = arith.constant 0 : index
    %get3A_26 = vector.load %arg3[%get3A_24, %get3A_25] : memref<512x1xf32, #tpu.memory_space<vmem>>, vector<512x1xf32>
    %mul3A_27 = vector.broadcast %get3A_26 : vector<512x1xf32> to vector<512x128xf32>
    %mul3A_28 = arith.mulf %max3A_23, %mul3A_27 : vector<512x128xf32>
    %swap3A = arith.constant 0 : index
    %swap3A_29 = arith.constant 0 : index
    %swap3A_30 = vector.load %arg6[%swap3A, %swap3A_29] : memref<512x128xf32, #tpu.memory_space<vmem>>, vector<512x128xf32>
    tpu.vector_store %arg6[%swap3A, %swap3A_29], %mul3A_28 {strides = array<i32>} : memref<512x128xf32, #tpu.memory_space<vmem>>, vector<512x128xf32>,
    return
  }
  func.func @transform_0(%arg0: i32) -> (i32, i32, i32) {
    %c0_i32 = arith.constant 0 : i32
    %c0_i32_0 = arith.constant 0 : i32
    %c0_i32_1 = arith.constant 0 : i32
    return %c0_i32, %arg0, %c0_i32_0 : i32, i32, i32
  }
  func.func @transform_1(%arg0: i32) -> (i32, i32) {
    %c0_i32 = arith.constant 0 : i32
    %c0_i32_0 = arith.constant 0 : i32
    return %arg0, %c0_i32 : i32, i32
  }
  func.func @transform_2(%arg0: i32) -> (i32, i32) {
    %c0_i32 = arith.constant 0 : i32
    %c0_i32_0 = arith.constant 0 : i32
    return %arg0, %c0_i32 : i32, i32
  }
  func.func @transform_3(%arg0: i32) -> (i32, i32) {
    %c0_i32 = arith.constant 0 : i32
    %c0_i32_0 = arith.constant 0 : i32
    %c0_i32_1 = arith.constant 0 : i32
    return %c0_i32, %c0_i32_0 : i32, i32
  }
  func.func @transform_4(%arg0: i32) -> (i32, i32) {
    %c0_i32 = arith.constant 0 : i32
    %c0_i32_0 = arith.constant 0 : i32
    %c0_i32_1 = arith.constant 0 : i32
    return %c0_i32, %c0_i32_0 : i32, i32
  }
  func.func @transform_5(%arg0: i32) -> (i32, i32) {
    %c0_i32 = arith.constant 0 : i32
    %c0_i32_0 = arith.constant 0 : i32
    return %arg0, %c0_i32 : i32, i32
  }
}

module attributes {stable_mosaic.version = 14 : i64} {
  func.func @body(%arg0: i32, %arg1: memref<2x512x128xf32, #tpu.memory_space<vmem>>, %arg2: memref<512x1xf32, #tpu.memory_space<vmem>>, %arg3: memref<512x1xf32, #tpu.memory_space<vmem>>, %arg4: memref<128x128xf32, #tpu.memory_space<vmem>>, %arg5: memref<1x128xf32, #tpu.memory_space<vmem>>, %arg6: memref<512x128xf32, #tpu.memory_space<vmem>>, %arg7: memref<512x128xf32, #tpu.memory_space<vmem>>) attributes {dimension_semantics = [#tpu.dimension_semantics<arbitrary>], iteration_bounds = array<i64: 20>, scalar_prefetch = 0 : i64, scratch_operands = 0 : i64, tpu.core_type = #tpu.core_type<tc>, window_params = [{transform_indices = @transform_0, window_bounds = array<i64: 2, 512, 128>}, {transform_indices = @transform_1, window_bounds = array<i64: 512, 1>}, {transform_indices = @transform_2, window_bounds = array<i64: 512, 1>}, {pipeline_mode = #tpu.pipeline_mode<synchronous>, transform_indices = @transform_3, window_bounds = array<i64: 128, 128>}, {pipeline_mode = #tpu.pipeline_mode<synchronous>, transform_indices = @transform_4, window_bounds = array<i64: 1, 128>}, {transform_indices = @transform_5, window_bounds = array<i64: 512, 128>}, {transform_indices = @transform_6, window_bounds = array<i64: 512, 128>}]} {
    %get3A = arith.constant 0 : index
    %get3A_0 = arith.constant 0 : index
    %get3A_1 = arith.constant 0 : index
    %get3A_2 = vector.load %arg1[%get3A, %get3A_0, %get3A_1] : memref<2x512x128xf32, #tpu.memory_space<vmem>>, vector<1x512x128xf32>
    %get3A_3 = vector.shape_cast %get3A_2 : vector<1x512x128xf32> to vector<512x128xf32>
    %get3A_4 = arith.constant 1 : index
    %get3A_5 = arith.constant 0 : index
    %get3A_6 = arith.constant 0 : index
    %get3A_7 = vector.load %arg1[%get3A_4, %get3A_5, %get3A_6] : memref<2x512x128xf32, #tpu.memory_space<vmem>>, vector<1x512x128xf32>
    %get3A_8 = vector.shape_cast %get3A_7 : vector<1x512x128xf32> to vector<512x128xf32>
    %add3A = arith.addf %get3A_3, %get3A_8 : vector<512x128xf32>
    %get3A_9 = arith.constant 0 : index
    %get3A_10 = arith.constant 0 : index
    %get3A_11 = vector.load %arg2[%get3A_9, %get3A_10] : memref<512x1xf32, #tpu.memory_space<vmem>>, vector<512x1xf32>
    %mul3A = vector.broadcast %get3A_11 : vector<512x1xf32> to vector<512x128xf32>
    %mul3A_12 = arith.mulf %add3A, %mul3A : vector<512x128xf32>
    %get3A_13 = arith.constant 0 : index
    %get3A_14 = arith.constant 0 : index
    %get3A_15 = vector.load %arg4[%get3A_13, %get3A_14] : memref<128x128xf32, #tpu.memory_space<vmem>>, vector<128x128xf32>
    %dot_general3A = arith.constant dense<0.000000e+00> : vector<512x128xf32>
    %dot_general3A_16 = tpu.matmul %mul3A_12, %get3A_15, %dot_general3A {dimension_numbers = #tpu.dot_dimension_numbers<[1], [0], [0], [1], [0, 0, 1, 1], [], []>, transpose_lhs_hint = false} : vector<512x128xf32>, vector<128x128xf32>, vector<512x128xf32> -> vector<512x128xf32>
    %get3A_17 = arith.constant 0 : index
    %get3A_18 = arith.constant 0 : index
    %get3A_19 = vector.load %arg5[%get3A_17, %get3A_18] : memref<1x128xf32, #tpu.memory_space<vmem>>, vector<1x128xf32>
    %add3A_20 = vector.broadcast %get3A_19 : vector<1x128xf32> to vector<512x128xf32>
    %add3A_21 = arith.addf %dot_general3A_16, %add3A_20 : vector<512x128xf32>
    %max3A = arith.constant 0.000000e+00 : f32
    %max3A_22 = vector.broadcast %max3A : f32 to vector<512x128xf32>
    %max3A_23 = arith.maximumf %add3A_21, %max3A_22 : vector<512x128xf32>
    %swap3A = arith.constant 0 : index
    %swap3A_24 = arith.constant 0 : index
    %swap3A_25 = vector.load %arg6[%swap3A, %swap3A_24] : memref<512x128xf32, #tpu.memory_space<vmem>>, vector<512x128xf32>
    tpu.vector_store %arg6[%swap3A, %swap3A_24], %max3A_23 {strides = array<i32>} : memref<512x128xf32, #tpu.memory_space<vmem>>, vector<512x128xf32>,
    %get3A_26 = arith.constant 0 : index
    %get3A_27 = arith.constant 0 : index
    %get3A_28 = vector.load %arg3[%get3A_26, %get3A_27] : memref<512x1xf32, #tpu.memory_space<vmem>>, vector<512x1xf32>
    %mul3A_29 = vector.broadcast %get3A_28 : vector<512x1xf32> to vector<512x128xf32>
    %mul3A_30 = arith.mulf %max3A_23, %mul3A_29 : vector<512x128xf32>
    %swap3A_31 = arith.constant 0 : index
    %swap3A_32 = arith.constant 0 : index
    %swap3A_33 = vector.load %arg7[%swap3A_31, %swap3A_32] : memref<512x128xf32, #tpu.memory_space<vmem>>, vector<512x128xf32>
    tpu.vector_store %arg7[%swap3A_31, %swap3A_32], %mul3A_30 {strides = array<i32>} : memref<512x128xf32, #tpu.memory_space<vmem>>, vector<512x128xf32>,
    return
  }
  func.func @transform_0(%arg0: i32) -> (i32, i32, i32) {
    %c0_i32 = arith.constant 0 : i32
    %c0_i32_0 = arith.constant 0 : i32
    %c0_i32_1 = arith.constant 0 : i32
    return %c0_i32, %arg0, %c0_i32_0 : i32, i32, i32
  }
  func.func @transform_1(%arg0: i32) -> (i32, i32) {
    %c0_i32 = arith.constant 0 : i32
    %c0_i32_0 = arith.constant 0 : i32
    return %arg0, %c0_i32 : i32, i32
  }
  func.func @transform_2(%arg0: i32) -> (i32, i32) {
    %c0_i32 = arith.constant 0 : i32
    %c0_i32_0 = arith.constant 0 : i32
    return %arg0, %c0_i32 : i32, i32
  }
  func.func @transform_3(%arg0: i32) -> (i32, i32) {
    %c0_i32 = arith.constant 0 : i32
    %c0_i32_0 = arith.constant 0 : i32
    %c0_i32_1 = arith.constant 0 : i32
    return %c0_i32, %c0_i32_0 : i32, i32
  }
  func.func @transform_4(%arg0: i32) -> (i32, i32) {
    %c0_i32 = arith.constant 0 : i32
    %c0_i32_0 = arith.constant 0 : i32
    %c0_i32_1 = arith.constant 0 : i32
    return %c0_i32, %c0_i32_0 : i32, i32
  }
  func.func @transform_5(%arg0: i32) -> (i32, i32) {
    %c0_i32 = arith.constant 0 : i32
    %c0_i32_0 = arith.constant 0 : i32
    return %arg0, %c0_i32 : i32, i32
  }
  func.func @transform_6(%arg0: i32) -> (i32, i32) {
    %c0_i32 = arith.constant 0 : i32
    %c0_i32_0 = arith.constant 0 : i32
    return %arg0, %c0_i32 : i32, i32
  }
}

module attributes {stable_mosaic.version = 14 : i64} {
  func.func @body(%arg0: i32, %arg1: memref<2x512x128xf32, #tpu.memory_space<vmem>>, %arg2: memref<512x1xf32, #tpu.memory_space<vmem>>, %arg3: memref<512x1xf32, #tpu.memory_space<vmem>>, %arg4: memref<128x128xf32, #tpu.memory_space<vmem>>, %arg5: memref<1x128xf32, #tpu.memory_space<vmem>>, %arg6: memref<512x128xf32, #tpu.memory_space<vmem>>) attributes {dimension_semantics = [#tpu.dimension_semantics<arbitrary>], iteration_bounds = array<i64: 20>, scalar_prefetch = 0 : i64, scratch_operands = 0 : i64, tpu.core_type = #tpu.core_type<tc>, window_params = [{transform_indices = @transform_0, window_bounds = array<i64: 2, 512, 128>}, {transform_indices = @transform_1, window_bounds = array<i64: 512, 1>}, {transform_indices = @transform_2, window_bounds = array<i64: 512, 1>}, {pipeline_mode = #tpu.pipeline_mode<synchronous>, transform_indices = @transform_3, window_bounds = array<i64: 128, 128>}, {pipeline_mode = #tpu.pipeline_mode<synchronous>, transform_indices = @transform_4, window_bounds = array<i64: 1, 128>}, {transform_indices = @transform_5, window_bounds = array<i64: 512, 128>}]} {
    %get3A = arith.constant 0 : index
    %get3A_0 = arith.constant 0 : index
    %get3A_1 = arith.constant 0 : index
    %get3A_2 = vector.load %arg1[%get3A, %get3A_0, %get3A_1] : memref<2x512x128xf32, #tpu.memory_space<vmem>>, vector<1x512x128xf32>
    %get3A_3 = vector.shape_cast %get3A_2 : vector<1x512x128xf32> to vector<512x128xf32>
    %get3A_4 = arith.constant 1 : index
    %get3A_5 = arith.constant 0 : index
    %get3A_6 = arith.constant 0 : index
    %get3A_7 = vector.load %arg1[%get3A_4, %get3A_5, %get3A_6] : memref<2x512x128xf32, #tpu.memory_space<vmem>>, vector<1x512x128xf32>
    %get3A_8 = vector.shape_cast %get3A_7 : vector<1x512x128xf32> to vector<512x128xf32>
    %add3A = arith.addf %get3A_3, %get3A_8 : vector<512x128xf32>
    %get3A_9 = arith.constant 0 : index
    %get3A_10 = arith.constant 0 : index
    %get3A_11 = vector.load %arg2[%get3A_9, %get3A_10] : memref<512x1xf32, #tpu.memory_space<vmem>>, vector<512x1xf32>
    %mul3A = vector.broadcast %get3A_11 : vector<512x1xf32> to vector<512x128xf32>
    %mul3A_12 = arith.mulf %add3A, %mul3A : vector<512x128xf32>
    %get3A_13 = arith.constant 0 : index
    %get3A_14 = arith.constant 0 : index
    %get3A_15 = vector.load %arg4[%get3A_13, %get3A_14] : memref<128x128xf32, #tpu.memory_space<vmem>>, vector<128x128xf32>
    %dot_general3A = arith.constant dense<0.000000e+00> : vector<512x128xf32>
    %dot_general3A_16 = tpu.matmul %mul3A_12, %get3A_15, %dot_general3A {dimension_numbers = #tpu.dot_dimension_numbers<[1], [0], [0], [1], [0, 0, 1, 1], [], []>, transpose_lhs_hint = false} : vector<512x128xf32>, vector<128x128xf32>, vector<512x128xf32> -> vector<512x128xf32>
    %get3A_17 = arith.constant 0 : index
    %get3A_18 = arith.constant 0 : index
    %get3A_19 = vector.load %arg5[%get3A_17, %get3A_18] : memref<1x128xf32, #tpu.memory_space<vmem>>, vector<1x128xf32>
    %add3A_20 = vector.broadcast %get3A_19 : vector<1x128xf32> to vector<512x128xf32>
    %add3A_21 = arith.addf %dot_general3A_16, %add3A_20 : vector<512x128xf32>
    %swap3A = arith.constant 0 : index
    %swap3A_22 = arith.constant 0 : index
    %swap3A_23 = vector.load %arg6[%swap3A, %swap3A_22] : memref<512x128xf32, #tpu.memory_space<vmem>>, vector<512x128xf32>
    tpu.vector_store %arg6[%swap3A, %swap3A_22], %add3A_21 {strides = array<i32>} : memref<512x128xf32, #tpu.memory_space<vmem>>, vector<512x128xf32>,
    return
  }
  func.func @transform_0(%arg0: i32) -> (i32, i32, i32) {
    %c0_i32 = arith.constant 0 : i32
    %c0_i32_0 = arith.constant 0 : i32
    %c0_i32_1 = arith.constant 0 : i32
    return %c0_i32, %arg0, %c0_i32_0 : i32, i32, i32
  }
  func.func @transform_1(%arg0: i32) -> (i32, i32) {
    %c0_i32 = arith.constant 0 : i32
    %c0_i32_0 = arith.constant 0 : i32
    return %arg0, %c0_i32 : i32, i32
  }
  func.func @transform_2(%arg0: i32) -> (i32, i32) {
    %c0_i32 = arith.constant 0 : i32
    %c0_i32_0 = arith.constant 0 : i32
    return %arg0, %c0_i32 : i32, i32
  }
  func.func @transform_3(%arg0: i32) -> (i32, i32) {
    %c0_i32 = arith.constant 0 : i32
    %c0_i32_0 = arith.constant 0 : i32
    %c0_i32_1 = arith.constant 0 : i32
    return %c0_i32, %c0_i32_0 : i32, i32
  }
  func.func @transform_4(%arg0: i32) -> (i32, i32) {
    %c0_i32 = arith.constant 0 : i32
    %c0_i32_0 = arith.constant 0 : i32
    %c0_i32_1 = arith.constant 0 : i32
    return %c0_i32, %c0_i32_0 : i32, i32
  }
  func.func @transform_5(%arg0: i32) -> (i32, i32) {
    %c0_i32 = arith.constant 0 : i32
    %c0_i32_0 = arith.constant 0 : i32
    return %arg0, %c0_i32 : i32, i32
  }
}

</mosaic_0001>

<sc_bundles>
// kernel: kernel.11.cloned.1.call-start
scs
__scs_entry_jumppad:
0x0: {  	(pc) =	sbr.rel $0x88, $3  }
0x1: {  	(tag) =	ssettag $0x0;
	lr =	simm.s32 $0x1  }
0x2: {  	[smem:$0x3F99] =	sst lr;
	_ =	strace $0xD0000000  }
0x3: {  	_ = 	snop  }
0x4: {  	_ = 	snop  }
0x5: {  	_ = 	snop  }
0x6: {  	_ = 	snop  }
0x7: {  	_ = 	snop  }
__scs_overlays_trampoline_lowered:
0x8: {  	[smem:$0x3FA8] =	sst s0  }
0x9: {  	[smem:$0x3FA9] =	sst s1  }
0xa: {  	[smem:$0x3FAA] =	sst s2  }
0xb: {  	[smem:$0x3FAB] =	sst s3  }
0xc: {  	[smem:$0x3FAC] =	sst s4  }
0xd: {  	[smem:$0x3FAD] =	sst s5  }
0xe: {  	[smem:$0x3FAE] =	sst s6  }
0xf: {  	[smem:$0x3FAF] =	sst s7  }
0x10: {  	[smem:$0x3FB0] =	sst s8  }
0x11: {  	[smem:$0x3FB1] =	sst s9;
	s0 =	simm.s32 @!p0 $0x0  }
0x12: {  	s1 =	sld [smem:$0x3F97];
	s0 =	simm.s32 @p0 $0x1  }
0x13: {  	[smem:$0x3FB2] =	sst s0;
	s0 =	simm.s32 @!p1 $0x0  }
0x14: {  	s2 =	sld [smem:$0x3F96];
	s0 =	simm.s32 @p1 $0x1  }
0x15: {  	[smem:$0x3FB3] =	sst s0;
	s0 =	simm.s32 @!p2 $0x0  }
0x16: {  	s3 =	sld [smem:$0x3FDB];
	s0 =	simm.s32 @p2 $0x1  }
0x17: {  	s4 =	simm.s32 $0x1BF5;
	[smem:$0x3FB5] =	sst s0  }
0x18: {  	s0 =	sld [smem:$0x3F98];
	_ =	swait.ge [sflag:s4], $0x0  }
0x19: {  	s7 =	sld [smem:$0x3F99]  }
0x1a: {  	s8 =	sadd.s32 $0xFFFFE003, lr  }
0x1b: {  	s9 =	sadd.s32 $0xFFFFFEF7, lr;
	s5 =	simm.s32 $0xFFFFFFFF;
	p2 =	slt.u32 s8, $0xFFFFF086  }
0x1c: {  	p1 =	slt.u32 s9, $0xF7A;
	s5 =	simm.s32 @!p2 $0x0  }
0x1d: {  	s5 =	simm.s32 @p1 $0x1;
	p0 =	seq.s32 s7, s2  }
0x1e: {  	s7 =	smul.u32 @!p0 $0xF7A, s2;
	p2 =	seq.s32 @!p0 s5, $0x0  }
0x1f: {  	s9 =	smul.u32 $0xF7A, s1;
	s8 =	simm.s32 @!p0 $0x1BF5;
	p2 =	por !p2, p0  }
0x20: {  	[sflag:s8] =	ssyncset.s32 @!p0 $0xFFFFF086;
	s6 =	sadd.s32 @!p0 s3, s7;
	s7 =	simm.s32 @!p0 $0x108  }
0x21: {  	s3 =	sadd.s32 s3, s9;
	s6 =	sadd.s32 @!p0 $0x88, s6;
	s7 =	simm.s32 @p2 $0x1082  }
0x22: {  	[simem:s7], [sflag:s8] =	dma.local @!p0 [hbm:s6], $0xF7A  }
0x23: {  	s9 =	sor.u32 $0xD0000000, s2;
	s6 =	simm.s32 $0x108;
	_ =	swait.ge @!p0 [sflag:s8], $0x0  }
0x24: {  	s3 =	sadd.s32 $0x88, s3;
	s6 =	simm.s32 @!p1 $0x1082;
	[sflag:s4] =	ssyncset.s32 $0xFFFFF086  }
0x25: {  	[simem:s6], [sflag:s4] =	dma.local [hbm:s3], $0xF7A  }
0x26: {  	[smem:$0x3F99] =	sst s1;
	(tag) =	ssettag s2;
	_ =	strace s9  }
0x27: {  	s1 =	sld [smem:$0x3FA9]  }
0x28: {  	s2 =	sld [smem:$0x3FAA]  }
0x29: {  	s4 =	sld [smem:$0x3FAC]  }
0x2a: {  	p0 =	seq.s32 s5, $0x0;
	s5 =	sld [smem:$0x3FAD]  }
0x2b: {  	s6 =	sld [smem:$0x3FAE]  }
0x2c: {  	s7 =	sld [smem:$0x3FAF]  }
0x2d: {  	s3 =	simm.s32 $0x108;
	s8 =	sld [smem:$0x3FB0]  }
0x2e: {  	s3 =	simm.s32 @!p0 $0x1082;
	s9 =	sld [smem:$0x3FB1]  }
0x2f: {  	lr =	sadd.s32 s0, s3;
	s0 =	sld [smem:$0x3FA8]  }
0x30: {  	s3 =	sld [smem:$0x3FAB]  }
0x31: {  	[smem:$0x3FB4] =	sst s10  }
0x32: {  	s10 =	sld [smem:$0x3FB2];
	_ =	sdelay $0x3  }
0x33: {  	p0 =	seq.s32 s10, $0x1;
	s10 =	sld [smem:$0x3FB4];
	_ =	sdelay $0x3  }
0x34: {  	[smem:$0x3FB4] =	sst s10  }
0x35: {  	s10 =	sld [smem:$0x3FB3];
	_ =	sdelay $0x3  }
0x36: {  	p1 =	seq.s32 s10, $0x1;
	s10 =	sld [smem:$0x3FB4];
	_ =	sdelay $0x3  }
0x37: {  	[smem:$0x3FB4] =	sst s10  }
0x38: {  	s10 =	sld [smem:$0x3FB5]  }
0x39: {  	_ = 	snop;
	(pc) =	sbr.ind lr, $3  }
0x3a: {  	_ = 	snop  }
0x3b: {  	_ = 	snop  }
0x3c: {  	p2 =	seq.s32 s10, $0x1;
	s10 =	sld [smem:$0x3FB4]  }
0x3d: {  	_ =	shalt  }
0x3e: {  	_ =	shalt  }
0x3f: {  	_ =	shalt  }
0x40: {  	_ =	shalt  }
0x41: {  	_ =	shalt  }
0x42: {  	_ =	shalt  }
0x43: {  	_ =	shalt  }
0x44: {  	_ =	shalt  }
0x45: {  	_ =	shalt  }
0x46: {  	_ =	shalt  }
0x47: {  	_ =	shalt  }
0x48: {  	_ =	shalt  }
0x49: {  	_ =	shalt  }
0x4a: {  	_ =	shalt  }
0x4b: {  	_ =	shalt  }
0x4c: {  	_ =	shalt  }
0x4d: {  	_ =	shalt  }
0x4e: {  	_ =	shalt  }
0x4f: {  	_ =	shalt  }
0x50: {  	_ =	shalt  }
0x51: {  	_ =	shalt  }
0x52: {  	_ =	shalt  }
0x53: {  	_ =	shalt  }
0x54: {  	_ =	shalt  }
0x55: {  	_ =	shalt  }
0x56: {  	_ =	shalt  }
0x57: {  	_ =	shalt  }
0x58: {  	_ =	shalt  }
0x59: {  	_ =	shalt  }
0x5a: {  	_ =	shalt  }
0x5b: {  	_ =	shalt  }
0x5c: {  	_ =	shalt  }
0x5d: {  	_ =	shalt  }
0x5e: {  	_ =	shalt  }
0x5f: {  	_ =	shalt  }
0x60: {  	_ =	shalt  }
0x61: {  	_ =	shalt  }
0x62: {  	_ =	shalt  }
0x63: {  	_ =	shalt  }
0x64: {  	_ =	shalt  }
0x65: {  	_ =	shalt  }
0x66: {  	_ =	shalt  }
0x67: {  	_ =	shalt  }
0x68: {  	_ =	shalt  }
0x69: {  	_ =	shalt  }
0x6a: {  	_ =	shalt  }
0x6b: {  	_ =	shalt  }
0x6c: {  	_ =	shalt  }
0x6d: {  	_ =	shalt  }
0x6e: {  	_ =	shalt  }
0x6f: {  	_ =	shalt  }
0x70: {  	_ =	shalt  }
0x71: {  	_ =	shalt  }
0x72: {  	_ =	shalt  }
0x73: {  	_ =	shalt  }
0x74: {  	_ =	shalt  }
0x75: {  	_ =	shalt  }
0x76: {  	_ =	shalt  }
0x77: {  	_ =	shalt  }
0x78: {  	_ =	shalt  }
0x79: {  	_ =	shalt  }
0x7a: {  	_ =	shalt  }
0x7b: {  	_ =	shalt  }
0x7c: {  	_ =	shalt  }
0x7d: {  	_ =	shalt  }
0x7e: {  	_ =	shalt  }
0x7f: {  	_ =	shalt  }
0x80: {  	_ =	shalt  }
0x81: {  	_ =	shalt  }
0x82: {  	_ =	shalt  }
0x83: {  	_ =	shalt  }
0x84: {  	_ =	shalt  }
0x85: {  	_ =	shalt  }
0x86: {  	_ =	shalt  }
0x87: {  	_ =	shalt  }
.Lfunc_end0:
.L_simem_size_0:
called_computation_lowered:
.L_overlay_start_0:
0x88: {  	s2 =	sld [smem:$0x3FD9]  }
0x89: {  	s3 =	sld [smem:$0x3FFE];
	_ =	sdelay $0x1  }
0x8a: {  	s1 =	srdreg.scid  }
0x8b: {  	s0 =	sand.u32 $0x1, s1  }
0x8c: {  	s14 =	sshll.u32 s0, $0xA;
	s2 =	sadd.s32 s3, s2  }
0x8d: {  	s2 =	sadd.s32 s2, s14  }
0x8e: {  	[smem:$0x3FC0] =	sst s2  }
0x8f: {  	_ = 	snop  }
0x90: {  	s2 =	sld [smem:$0x3FD0];
	_ =	sdelay $0x2  }
0x91: {  	s15 =	simm.s32 $0xA;
	s4 =	simm.s32 $0x10  }
0x92: {  	[smem:s4], [sflag:s15] =	dma.local [hbm:s2], $0x1  }
0x93: {  	_ =	swait.eq [sflag:s15], $0x1  }
0x94: {  	[sflag:s15] =	ssyncset.done $0x0  }
0x95: {  	[sflag:s15] =	ssyncadd.s32 $0xFFFFFFFF  }
0x96: {  	s16 =	sld [smem:$0x11];
	(tm) =	ssettm $0x1  }
0x97: {  	s17 =	sld [smem:$0x3FFB];
	_ =	sdelay $0x3  }
0x98: {  	_ =	strace s17  }
0x99: {  	s3 =	sld [smem:$0x3FFC];
	_ =	sdelay $0x3  }
0x9a: {  	_ =	strace s3  }
0x9b: {  	s3 =	sld [smem:$0x3FFD];
	_ =	sdelay $0x3  }
0x9c: {  	_ =	strace s3  }
0x9d: {  	_ =	strace $0x8FFFFFFF  }
0x9e: {  	s18 =	sld [smem:$0x3FDB];
	_ =	sdelay $0x1  }
0x9f: {  	s19 =	simm.s32 $_scs_section_size  }
0xa0: {  	s5 =	simm.s32 $_size__tile_overlayer_lowered;
	s6 =	simm.s32 $_tile_overlayer_lowered  }
0xa1: {  	s22 =	simm.s32 $0x1BFF;
	s21 =	sshll.u32 s6, $0x1;
	s3 =	sadd.s32 s19, s18  }
0xa2: {  	s7 =	simm.s32 $0x0;
	s20 =	sshll.u32 s5, $0x1;
	s5 =	sadd.s32 s21, s3  }
0xa3: {  	[timem:s7], [sflag:s22] =	dma.local [hbm:s5], s20  }
0xa4: {  	_ =	swait.ge [sflag:s22], s20  }
0xa5: {  	s4 =	ssub.s32 $0x0, s20;
	[sflag:s22] =	ssyncset.done $0x0  }
0xa6: {  	[sflag:s22] =	ssyncadd.s32 s4;
	_ =	sdelay $0x1  }
0xa7: {  	s23 =	simm.s32 $0x1B8B  }
0xa8: {  	_ =	swait.ge [sflag:s23], $0x1  }
0xa9: {  	[sflag:s23] =	ssyncset.done $0x0  }
0xaa: {  	s25 =	simm.s32 $0x1B8E;
	s24 =	sld [smem:$0x3FFE];
	[sflag:s23] =	ssyncadd.s32 $0xFFFFFFFF  }
0xab: {  	s26 =	simm.s32 $execute0_lowered;
	[smem:$0x3FD2] =	sst s25  }
0xac: {  	s5 =	sshll.u32 s26, $0x1;
	_ =	strace $0x80000046;
	[dreg:$0x1] =	wrdreg $0xFFFFFFFF  }
0xad: {  	s28 =	simm.s32 $_size_execute0_lowered;
	s3 =	sadd.s32 s3, s5;
	[dreg:$0x0] =	wrdreg $0x0  }
0xae: {  	s5 =	sshll.u32 s28, $0x1;
	[dreg:$0x2] =	wrdreg s3  }
0xaf: {  	[dreg:$0x3] =	wrdreg s5  }
0xb0: {  	[dreg:$0x4] =	wrdreg $0xC0  }
0xb1: {  	_ =	task [dreg:s7], $0x5FFFF  }
0xb2: {  	[dreg:$0x1] =	wrdreg $0xFFFFFFFF  }
0xb3: {  	[dreg:$0x0] =	wrdreg $0x60  }
0xb4: {  	[dreg:$0x2] =	wrdreg s24  }
0xb5: {  	[dreg:$0x3] =	wrdreg s16  }
0xb6: {  	[dreg:$0x4] =	wrdreg $0x9  }
0xb7: {  	_ =	task.clear_ibuf [dreg:s7], $0x5FFFF;
	_ =	strace $0x90000046  }
0xb8: {  	s29 =	simm.s32 $0x9;
	_ =	strace $0x80000048  }
0xb9: {  	_ =	swait.ge [sflag:s29], $0x1  }
0xba: {  	[sflag:s29] =	ssyncadd.s32 $0xFFFFFFFF  }
0xbb: {  	_ =	strace $0x90000048  }
0xbc: {  	_ =	sfence  }
0xbd: {  	s30 =	sld [smem:$0x0];
	_ =	sdelay $0x2  }
0xbe: {  	s31 =	sshll.u32 s1, $0xD;
	s1 =	sshrl.u32 s1, $0x2  }
0xbf: {  	s3 =	sand.u32 $0x4000, s31;
	s1 =	sadd.s32 s1, s30  }
0xc0: {  	s0 =	sor.u32 s3, s0;
	s1 =	sshll.u32 s1, $0x11  }
0xc1: {  	s0 =	sor.u32 s1, s0  }
0xc2: {  	s0 =	sadd.s32 $0x8F2B, s0  }
0xc3: {  	[sflag:s0] =	ssyncadd.remote.s32 $0x1  }
0xc4: {  	_ =	sfence.sel $0xFFFF  }
0xc5: {  	[dreg:$0x0] =	wrdreg $0xFFFFFFFF;
	(pc) =	sbr.abs _section_cstart, $3  }
0xc6: {  	[dreg:$0x1] =	wrdreg $0xFFFFFFFF  }
0xc7: {  	_ =	task.clear_ibuf [dreg:s7], $0x2FFFF;
	_ =	strace $0x9FFFFFFF  }
0xc8: {  	(tm) =	ssettm $0x7FFFFFFF  }
0xc9: {  	_ =	shalt  }
tec
execute0_lowered:
.L_overlay_start_1:
0x0: {  	(tag) =	ssettag $0x1  }
0x1: {  	s3 =	rddreg [dreg:$0x0]  }
0x2: {  	s4 =	rddreg [dreg:$0x1]  }
0x3: {  	s1 =	srdreg.scid;
	s0 =	rddreg [dreg:$0x2]  }
0x4: {  	s2 =	simm.s32 $0x0;
	s11 =	simm.s32 $0x400;
	s5 =	sand.u32 $0x1, s1  }
0x5: {  	s12 =	simm.s32 $0x0;
	s1 =	stileid.u32;
	s6 =	smul.u32 $0x5000, s5  }
0x6: {  	[smem:$0x7FF] =	sst s2;
	s7 =	smul.u32 $0x50000, s5;
	s8 =	sshrl.u32 s1, $0x3  }
0x7: {  	_ =	strace $0x80000047;
	s9 =	sshll.u32 s1, $0x7;
	s30 =	smul.u32 $0x500, s1  }
0x8: {  	s5 =	ssub.s32 $0x2, s5;
	s8 =	smul.u32 $0x28000, s8;
	s29 =	sand.u32 $0x380, s9  }
0x9: {  	s10 =	sshrl.u32 s5, $0x1;
	s9 =	simm.s32 $0x1;
	s6 =	sadd.s32 s6, s3  }
0xa: {  	s3 =	sadd.s32 $0x20800, s3;
	s5 =	ssub.s32 s5, s10;
	s7 =	sadd.s32 s7, s8  }
0xb: {  	s10 =	simm.s32 $0x80;
	s31 =	sadd.s32 s30, s6;
	s7 =	sor.u32 s29, s7  }
0xc: {  	s5 =	smax.u32 s5, $0x1;
	s8 =	simm.s32 $0x100;
	s7 =	sshrl.u32 s7, $0x3  }
0xd: {  	v0 =	vimm.f32 $1.000000000e+00;
	s6 =	sadd.s32 $0x2800, s31;
	s4 =	sadd.s32 s4, s7;
	s7 =	sadd.s32 $0xC800, s31  }
.LBB2_1:
0xe: {  	[tilespmem:s8], [sflag:$0x1] =	stream.linear.gather [hbm4b:s3+s2], $0x5000, $0x38;
	[tilespmem:$0x5100] =	vst v63  }
0xf: {  	_ =	swait.ge [sflag:s9], $0x5000  }
0x10: {  	[sflag:s9] =	ssyncset.done $0x0  }
0x11: {  	s13 =	simm.s32 $0x0;
	[sflag:s9] =	ssyncadd.s32 $0xFFFFB000  }
.LBB2_2:
0x12: {  	s14 =	sadd.s32 s13, s7  }
0x13: {  	[tilespmem:s2], [sflag:$0x1] =	stream.linear.gather [hbm4b:s14+s2], $0x80, $0x38;
	[tilespmem:$0x5100] =	vst v63  }
0x14: {  	_ =	swait.ge [sflag:s9], $0x80  }
0x15: {  	[sflag:s9] =	ssyncset.done $0x0  }
0x16: {  	s31 =	sadd.s32 s13, s6;
	[sflag:s9] =	ssyncadd.s32 $0xFFFFFF80  }
0x17: {  	[tilespmem:s10], [sflag:$0x1] =	stream.linear.gather [hbm4b:s31+s2], $0x80, $0x38;
	[tilespmem:$0x5100] =	vst v63  }
0x18: {  	_ =	swait.ge [sflag:s9], $0x80  }
0x19: {  	[sflag:s9] =	ssyncset.done $0x0  }
0x1a: {  	[sflag:s9] =	ssyncadd.s32 $0xFFFFFF80  }
0x1b: {  	v1 =	vld [tilespmem:$0x0];
	_ =	sdelay $0x7  }
0x1c: {  	[tilespmem:v1+s8+$0x0] =	vst.idx.add.f32.msk $0xffff, v0  }
0x1d: {  	v1 =	vld [tilespmem:$0x80];
	_ =	sdelay $0x4  }
0x1e: {  	v1 =	vadd.s32 $0x2800, v1;
	_ =	sdelay $0x4  }
0x1f: {  	[tilespmem:v1+s8+$0x0] =	vst.idx.add.f32.msk $0xffff, v0  }
0x20: {  	v1 =	vld [tilespmem:$0x10];
	_ =	sdelay $0x7  }
0x21: {  	[tilespmem:v1+s8+$0x0] =	vst.idx.add.f32.msk $0xffff, v0  }
0x22: {  	v1 =	vld [tilespmem:$0x90];
	_ =	sdelay $0x4  }
0x23: {  	v1 =	vadd.s32 $0x2800, v1;
	_ =	sdelay $0x4  }
0x24: {  	[tilespmem:v1+s8+$0x0] =	vst.idx.add.f32.msk $0xffff, v0  }
0x25: {  	v1 =	vld [tilespmem:$0x20];
	_ =	sdelay $0x7  }
0x26: {  	[tilespmem:v1+s8+$0x0] =	vst.idx.add.f32.msk $0xffff, v0  }
0x27: {  	v1 =	vld [tilespmem:$0xA0];
	_ =	sdelay $0x4  }
0x28: {  	v1 =	vadd.s32 $0x2800, v1;
	_ =	sdelay $0x4  }
0x29: {  	[tilespmem:v1+s8+$0x0] =	vst.idx.add.f32.msk $0xffff, v0  }
0x2a: {  	v1 =	vld [tilespmem:$0x30];
	_ =	sdelay $0x7  }
0x2b: {  	[tilespmem:v1+s8+$0x0] =	vst.idx.add.f32.msk $0xffff, v0  }
0x2c: {  	v1 =	vld [tilespmem:$0xB0];
	_ =	sdelay $0x4  }
0x2d: {  	v1 =	vadd.s32 $0x2800, v1;
	_ =	sdelay $0x4  }
0x2e: {  	[tilespmem:v1+s8+$0x0] =	vst.idx.add.f32.msk $0xffff, v0  }
0x2f: {  	v1 =	vld [tilespmem:$0x40];
	_ =	sdelay $0x7  }
0x30: {  	[tilespmem:v1+s8+$0x0] =	vst.idx.add.f32.msk $0xffff, v0  }
0x31: {  	v1 =	vld [tilespmem:$0xC0];
	_ =	sdelay $0x4  }
0x32: {  	v1 =	vadd.s32 $0x2800, v1;
	_ =	sdelay $0x4  }
0x33: {  	[tilespmem:v1+s8+$0x0] =	vst.idx.add.f32.msk $0xffff, v0  }
0x34: {  	v1 =	vld [tilespmem:$0x50];
	_ =	sdelay $0x7  }
0x35: {  	[tilespmem:v1+s8+$0x0] =	vst.idx.add.f32.msk $0xffff, v0  }
0x36: {  	v1 =	vld [tilespmem:$0xD0];
	_ =	sdelay $0x4  }
0x37: {  	v1 =	vadd.s32 $0x2800, v1;
	_ =	sdelay $0x4  }
0x38: {  	[tilespmem:v1+s8+$0x0] =	vst.idx.add.f32.msk $0xffff, v0  }
0x39: {  	v1 =	vld [tilespmem:$0x60];
	_ =	sdelay $0x7  }
0x3a: {  	[tilespmem:v1+s8+$0x0] =	vst.idx.add.f32.msk $0xffff, v0  }
0x3b: {  	v1 =	vld [tilespmem:$0xE0];
	_ =	sdelay $0x4  }
0x3c: {  	v1 =	vadd.s32 $0x2800, v1;
	_ =	sdelay $0x4  }
0x3d: {  	[tilespmem:v1+s8+$0x0] =	vst.idx.add.f32.msk $0xffff, v0  }
0x3e: {  	v1 =	vld [tilespmem:$0x70];
	_ =	sdelay $0x7  }
0x3f: {  	[tilespmem:v1+s8+$0x0] =	vst.idx.add.f32.msk $0xffff, v0  }
0x40: {  	v1 =	vld [tilespmem:$0xF0];
	_ =	sdelay $0x4  }
0x41: {  	p0 =	sne.s32 s13, $0x4F0;
	v1 =	vadd.s32 $0x2800, v1  }
.Ltmp0:
0x42: {  	_ = 	snop;
	(pc) =	sbr.rel @p0 .LBB2_2-.Ltmp0, $2  }
0x43: {  	_ =	sdelay $0x2  }
0x44: {  	s13 =	sadd.s32 $0x10, s13;
	[tilespmem:v1+s8+$0x0] =	vst.idx.add.f32.msk $0xffff, v0  }
0x45: {  	s12 =	sadd.s32 $0x1, s12  }
0x46: {  	p0 =	sne.s32 s12, s5  }
.Ltmp1:
0x47: {  	_ = 	snop;
	(pc) =	sbr.rel @p0 .LBB2_1-.Ltmp1, $4  }
0x48: {  	[hbm4b:s4+s10] =	stream.strided.scatter [tilespmem:s8], [sflag:$0x1], $0x5000, s11, s10, $0x38;
	[tilespmem:$0x5100] =	vst v63  }
0x49: {  	_ =	swait.ge [sflag:s9], $0x5000  }
0x4a: {  	[sflag:s9] =	ssyncset.done $0x0  }
0x4b: {  	[sflag:s9] =	ssyncadd.s32 $0xFFFFB000  }
0x4c: {  	_ =	sfence.sel $0x180000  }
0x4d: {  	[bflag:$0x0] =	sbarrier.arrive $0xFFFF  }
0x4e: {  	p0 =	sne.s32 s1, $0x0;
	_ =	strace $0x90000047  }
0x4f: {  	s0 =	sadd.s32 @!p0 $0x100000, s0;
	[bflag:$0x2] =	sbarrier.arrive $0xFFFF  }
0x50: {  	[sflag:s0] =	ssyncadd.tile.s32 @!p0 $0x1;
	_ =	shalt  }
.Lfunc_end2:
_tile_overlayer_lowered:
.L_overlay_start_2:
0x51: {  	(tag) =	ssettag $0x2  }
0x52: {  	s0 =	rddreg [dreg:$0x0];
	s2 =	stileid.u32  }
0x53: {  	s1 =	rddreg [dreg:$0x1];
	p0 =	sne.s32 s2, $0x0  }
0x54: {  	s3 =	rddreg [dreg:$0x2];
	[bflag:$0x3] =	sbarrier.arrive $0xFFFF;
	s2 =	simm.s32 @!p0 $0x1C01  }
0x55: {  	[timem:s3], [sflag:s2] =	dma.local @!p0 [hbm:s0], s1  }
0x56: {  	s0 =	simm.s32 @!p0 $0x1  }
0x57: {  	_ =	swait.ge @!p0 [sflag:s0], s1  }
0x58: {  	s1 =	ssub.s32 @!p0 $0x0, s1;
	[sflag:s0] =	ssyncset.done @!p0 $0x0  }
0x59: {  	[sflag:s0] =	ssyncadd.s32 @!p0 s1  }
0x5a: {  	[bflag:$0x3] =	sbarrier.arrive $0xFFFF  }
0x5b: {  	_ =	shalt  }

// kernel: kernel.14.cloned.1.call-start
scs
__scs_entry_jumppad:
0x0: {  	(pc) =	sbr.rel $0x88, $3  }
0x1: {  	(tag) =	ssettag $0x0;
	lr =	simm.s32 $0x1  }
0x2: {  	[smem:$0x3F99] =	sst lr;
	_ =	strace $0xD0000000  }
0x3: {  	_ = 	snop  }
0x4: {  	_ = 	snop  }
0x5: {  	_ = 	snop  }
0x6: {  	_ = 	snop  }
0x7: {  	_ = 	snop  }
__scs_overlays_trampoline_lowered:
0x8: {  	[smem:$0x3FA8] =	sst s0  }
0x9: {  	[smem:$0x3FA9] =	sst s1  }
0xa: {  	[smem:$0x3FAA] =	sst s2  }
0xb: {  	[smem:$0x3FAB] =	sst s3  }
0xc: {  	[smem:$0x3FAC] =	sst s4  }
0xd: {  	[smem:$0x3FAD] =	sst s5  }
0xe: {  	[smem:$0x3FAE] =	sst s6  }
0xf: {  	[smem:$0x3FAF] =	sst s7  }
0x10: {  	[smem:$0x3FB0] =	sst s8  }
0x11: {  	[smem:$0x3FB1] =	sst s9;
	s0 =	simm.s32 @!p0 $0x0  }
0x12: {  	s1 =	sld [smem:$0x3F97];
	s0 =	simm.s32 @p0 $0x1  }
0x13: {  	[smem:$0x3FB2] =	sst s0;
	s0 =	simm.s32 @!p1 $0x0  }
0x14: {  	s2 =	sld [smem:$0x3F96];
	s0 =	simm.s32 @p1 $0x1  }
0x15: {  	[smem:$0x3FB3] =	sst s0;
	s0 =	simm.s32 @!p2 $0x0  }
0x16: {  	s3 =	sld [smem:$0x3FDB];
	s0 =	simm.s32 @p2 $0x1  }
0x17: {  	s4 =	simm.s32 $0x1BF5;
	[smem:$0x3FB5] =	sst s0  }
0x18: {  	s0 =	sld [smem:$0x3F98];
	_ =	swait.ge [sflag:s4], $0x0  }
0x19: {  	s7 =	sld [smem:$0x3F99]  }
0x1a: {  	s8 =	sadd.s32 $0xFFFFE003, lr  }
0x1b: {  	s9 =	sadd.s32 $0xFFFFFEF7, lr;
	s5 =	simm.s32 $0xFFFFFFFF;
	p2 =	slt.u32 s8, $0xFFFFF086  }
0x1c: {  	p1 =	slt.u32 s9, $0xF7A;
	s5 =	simm.s32 @!p2 $0x0  }
0x1d: {  	s5 =	simm.s32 @p1 $0x1;
	p0 =	seq.s32 s7, s2  }
0x1e: {  	s7 =	smul.u32 @!p0 $0xF7A, s2;
	p2 =	seq.s32 @!p0 s5, $0x0  }
0x1f: {  	s9 =	smul.u32 $0xF7A, s1;
	s8 =	simm.s32 @!p0 $0x1BF5;
	p2 =	por !p2, p0  }
0x20: {  	[sflag:s8] =	ssyncset.s32 @!p0 $0xFFFFF086;
	s6 =	sadd.s32 @!p0 s3, s7;
	s7 =	simm.s32 @!p0 $0x108  }
0x21: {  	s3 =	sadd.s32 s3, s9;
	s6 =	sadd.s32 @!p0 $0x88, s6;
	s7 =	simm.s32 @p2 $0x1082  }
0x22: {  	[simem:s7], [sflag:s8] =	dma.local @!p0 [hbm:s6], $0xF7A  }
0x23: {  	s9 =	sor.u32 $0xD0000000, s2;
	s6 =	simm.s32 $0x108;
	_ =	swait.ge @!p0 [sflag:s8], $0x0  }
0x24: {  	s3 =	sadd.s32 $0x88, s3;
	s6 =	simm.s32 @!p1 $0x1082;
	[sflag:s4] =	ssyncset.s32 $0xFFFFF086  }
0x25: {  	[simem:s6], [sflag:s4] =	dma.local [hbm:s3], $0xF7A  }
0x26: {  	[smem:$0x3F99] =	sst s1;
	(tag) =	ssettag s2;
	_ =	strace s9  }
0x27: {  	s1 =	sld [smem:$0x3FA9]  }
0x28: {  	s2 =	sld [smem:$0x3FAA]  }
0x29: {  	s4 =	sld [smem:$0x3FAC]  }
0x2a: {  	p0 =	seq.s32 s5, $0x0;
	s5 =	sld [smem:$0x3FAD]  }
0x2b: {  	s6 =	sld [smem:$0x3FAE]  }
0x2c: {  	s7 =	sld [smem:$0x3FAF]  }
0x2d: {  	s3 =	simm.s32 $0x108;
	s8 =	sld [smem:$0x3FB0]  }
0x2e: {  	s3 =	simm.s32 @!p0 $0x1082;
	s9 =	sld [smem:$0x3FB1]  }
0x2f: {  	lr =	sadd.s32 s0, s3;
	s0 =	sld [smem:$0x3FA8]  }
0x30: {  	s3 =	sld [smem:$0x3FAB]  }
0x31: {  	[smem:$0x3FB4] =	sst s10  }
0x32: {  	s10 =	sld [smem:$0x3FB2];
	_ =	sdelay $0x3  }
0x33: {  	p0 =	seq.s32 s10, $0x1;
	s10 =	sld [smem:$0x3FB4];
	_ =	sdelay $0x3  }
0x34: {  	[smem:$0x3FB4] =	sst s10  }
0x35: {  	s10 =	sld [smem:$0x3FB3];
	_ =	sdelay $0x3  }
0x36: {  	p1 =	seq.s32 s10, $0x1;
	s10 =	sld [smem:$0x3FB4];
	_ =	sdelay $0x3  }
0x37: {  	[smem:$0x3FB4] =	sst s10  }
0x38: {  	s10 =	sld [smem:$0x3FB5]  }
0x39: {  	_ = 	snop;
	(pc) =	sbr.ind lr, $3  }
0x3a: {  	_ = 	snop  }
0x3b: {  	_ = 	snop  }
0x3c: {  	p2 =	seq.s32 s10, $0x1;
	s10 =	sld [smem:$0x3FB4]  }
0x3d: {  	_ =	shalt  }
0x3e: {  	_ =	shalt  }
0x3f: {  	_ =	shalt  }
0x40: {  	_ =	shalt  }
0x41: {  	_ =	shalt  }
0x42: {  	_ =	shalt  }
0x43: {  	_ =	shalt  }
0x44: {  	_ =	shalt  }
0x45: {  	_ =	shalt  }
0x46: {  	_ =	shalt  }
0x47: {  	_ =	shalt  }
0x48: {  	_ =	shalt  }
0x49: {  	_ =	shalt  }
0x4a: {  	_ =	shalt  }
0x4b: {  	_ =	shalt  }
0x4c: {  	_ =	shalt  }
0x4d: {  	_ =	shalt  }
0x4e: {  	_ =	shalt  }
0x4f: {  	_ =	shalt  }
0x50: {  	_ =	shalt  }
0x51: {  	_ =	shalt  }
0x52: {  	_ =	shalt  }
0x53: {  	_ =	shalt  }
0x54: {  	_ =	shalt  }
0x55: {  	_ =	shalt  }
0x56: {  	_ =	shalt  }
0x57: {  	_ =	shalt  }
0x58: {  	_ =	shalt  }
0x59: {  	_ =	shalt  }
0x5a: {  	_ =	shalt  }
0x5b: {  	_ =	shalt  }
0x5c: {  	_ =	shalt  }
0x5d: {  	_ =	shalt  }
0x5e: {  	_ =	shalt  }
0x5f: {  	_ =	shalt  }
0x60: {  	_ =	shalt  }
0x61: {  	_ =	shalt  }
0x62: {  	_ =	shalt  }
0x63: {  	_ =	shalt  }
0x64: {  	_ =	shalt  }
0x65: {  	_ =	shalt  }
0x66: {  	_ =	shalt  }
0x67: {  	_ =	shalt  }
0x68: {  	_ =	shalt  }
0x69: {  	_ =	shalt  }
0x6a: {  	_ =	shalt  }
0x6b: {  	_ =	shalt  }
0x6c: {  	_ =	shalt  }
0x6d: {  	_ =	shalt  }
0x6e: {  	_ =	shalt  }
0x6f: {  	_ =	shalt  }
0x70: {  	_ =	shalt  }
0x71: {  	_ =	shalt  }
0x72: {  	_ =	shalt  }
0x73: {  	_ =	shalt  }
0x74: {  	_ =	shalt  }
0x75: {  	_ =	shalt  }
0x76: {  	_ =	shalt  }
0x77: {  	_ =	shalt  }
0x78: {  	_ =	shalt  }
0x79: {  	_ =	shalt  }
0x7a: {  	_ =	shalt  }
0x7b: {  	_ =	shalt  }
0x7c: {  	_ =	shalt  }
0x7d: {  	_ =	shalt  }
0x7e: {  	_ =	shalt  }
0x7f: {  	_ =	shalt  }
0x80: {  	_ =	shalt  }
0x81: {  	_ =	shalt  }
0x82: {  	_ =	shalt  }
0x83: {  	_ =	shalt  }
0x84: {  	_ =	shalt  }
0x85: {  	_ =	shalt  }
0x86: {  	_ =	shalt  }
0x87: {  	_ =	shalt  }
.Lfunc_end0:
.L_simem_size_0:
called_computation.1_lowered:
.L_overlay_start_0:
0x88: {  	s2 =	sld [smem:$0x3FD9]  }
0x89: {  	s3 =	sld [smem:$0x3FFE];
	_ =	sdelay $0x1  }
0x8a: {  	s1 =	srdreg.scid  }
0x8b: {  	s0 =	sand.u32 $0x1, s1  }
0x8c: {  	s14 =	sshll.u32 s0, $0xA;
	s2 =	sadd.s32 s3, s2  }
0x8d: {  	s2 =	sadd.s32 s2, s14  }
0x8e: {  	[smem:$0x3FC0] =	sst s2  }
0x8f: {  	_ = 	snop  }
0x90: {  	s2 =	sld [smem:$0x3FD0];
	_ =	sdelay $0x2  }
0x91: {  	s15 =	simm.s32 $0xA;
	s4 =	simm.s32 $0x10  }
0x92: {  	[smem:s4], [sflag:s15] =	dma.local [hbm:s2], $0x1  }
0x93: {  	_ =	swait.eq [sflag:s15], $0x1  }
0x94: {  	[sflag:s15] =	ssyncset.done $0x0  }
0x95: {  	[sflag:s15] =	ssyncadd.s32 $0xFFFFFFFF  }
0x96: {  	s16 =	sld [smem:$0x10];
	(tm) =	ssettm $0x1  }
0x97: {  	s17 =	sld [smem:$0x3FFB];
	_ =	sdelay $0x3  }
0x98: {  	_ =	strace s17  }
0x99: {  	s3 =	sld [smem:$0x3FFC];
	_ =	sdelay $0x3  }
0x9a: {  	_ =	strace s3  }
0x9b: {  	s3 =	sld [smem:$0x3FFD];
	_ =	sdelay $0x3  }
0x9c: {  	_ =	strace s3  }
0x9d: {  	_ =	strace $0x8FFFFFFF  }
0x9e: {  	s18 =	sld [smem:$0x3FDB];
	_ =	sdelay $0x1  }
0x9f: {  	s19 =	simm.s32 $_scs_section_size  }
0xa0: {  	s5 =	simm.s32 $_size__tile_overlayer_lowered;
	s6 =	simm.s32 $_tile_overlayer_lowered  }
0xa1: {  	s22 =	simm.s32 $0x1BFF;
	s21 =	sshll.u32 s6, $0x1;
	s3 =	sadd.s32 s19, s18  }
0xa2: {  	s7 =	simm.s32 $0x0;
	s20 =	sshll.u32 s5, $0x1;
	s5 =	sadd.s32 s21, s3  }
0xa3: {  	[timem:s7], [sflag:s22] =	dma.local [hbm:s5], s20  }
0xa4: {  	_ =	swait.ge [sflag:s22], s20  }
0xa5: {  	s4 =	ssub.s32 $0x0, s20;
	[sflag:s22] =	ssyncset.done $0x0  }
0xa6: {  	[sflag:s22] =	ssyncadd.s32 s4;
	_ =	sdelay $0x1  }
0xa7: {  	s23 =	simm.s32 $0x1B8B  }
0xa8: {  	_ =	swait.ge [sflag:s23], $0x1  }
0xa9: {  	[sflag:s23] =	ssyncset.done $0x0  }
0xaa: {  	s25 =	simm.s32 $0x1B8E;
	s24 =	sld [smem:$0x3FFE];
	[sflag:s23] =	ssyncadd.s32 $0xFFFFFFFF  }
0xab: {  	s26 =	simm.s32 $execute0_lowered;
	[smem:$0x3FD2] =	sst s25  }
0xac: {  	s5 =	sshll.u32 s26, $0x1;
	_ =	strace $0x80000049;
	[dreg:$0x1] =	wrdreg $0xFFFFFFFF  }
0xad: {  	s28 =	simm.s32 $_size_execute0_lowered;
	s3 =	sadd.s32 s3, s5;
	[dreg:$0x0] =	wrdreg $0x0  }
0xae: {  	s5 =	sshll.u32 s28, $0x1;
	[dreg:$0x2] =	wrdreg s3  }
0xaf: {  	[dreg:$0x3] =	wrdreg s5  }
0xb0: {  	[dreg:$0x4] =	wrdreg $0xC0  }
0xb1: {  	_ =	task [dreg:s7], $0x5FFFF  }
0xb2: {  	[dreg:$0x1] =	wrdreg $0xFFFFFFFF  }
0xb3: {  	[dreg:$0x0] =	wrdreg $0x60  }
0xb4: {  	[dreg:$0x2] =	wrdreg s24  }
0xb5: {  	[dreg:$0x3] =	wrdreg s16  }
0xb6: {  	[dreg:$0x4] =	wrdreg $0x90000  }
0xb7: {  	[dreg:$0x5] =	wrdreg $0x9  }
0xb8: {  	_ =	task.clear_ibuf [dreg:s7], $0x6FFFF;
	_ =	strace $0x90000049  }
0xb9: {  	s29 =	simm.s32 $0x9;
	_ =	strace $0x8000004B  }
0xba: {  	_ =	swait.ge [sflag:s29], $0x1  }
0xbb: {  	[sflag:s29] =	ssyncadd.s32 $0xFFFFFFFF  }
0xbc: {  	_ =	strace $0x9000004B  }
0xbd: {  	_ =	sfence  }
0xbe: {  	s30 =	sld [smem:$0x0];
	_ =	sdelay $0x2  }
0xbf: {  	s31 =	sshll.u32 s1, $0xD;
	s1 =	sshrl.u32 s1, $0x2  }
0xc0: {  	s3 =	sand.u32 $0x4000, s31;
	s1 =	sadd.s32 s1, s30  }
0xc1: {  	s0 =	sor.u32 s3, s0;
	s1 =	sshll.u32 s1, $0x11  }
0xc2: {  	s0 =	sor.u32 s1, s0  }
0xc3: {  	s0 =	sadd.s32 $0x8F2B, s0  }
0xc4: {  	[sflag:s0] =	ssyncadd.remote.s32 $0x1  }
0xc5: {  	_ =	sfence.sel $0xFFFF  }
0xc6: {  	[dreg:$0x0] =	wrdreg $0xFFFFFFFF;
	(pc) =	sbr.abs _section_cstart, $3  }
0xc7: {  	[dreg:$0x1] =	wrdreg $0xFFFFFFFF  }
0xc8: {  	_ =	task.clear_ibuf [dreg:s7], $0x2FFFF;
	_ =	strace $0x9FFFFFFF  }
0xc9: {  	(tm) =	ssettm $0x7FFFFFFF  }
tec
execute0_lowered:
.L_overlay_start_1:
0x0: {  	(tag) =	ssettag $0x1  }
0x1: {  	s6 =	rddreg [dreg:$0x0]  }
0x2: {  	s7 =	rddreg [dreg:$0x1]  }
0x3: {  	s2 =	rddreg [dreg:$0x2]  }
0x4: {  	s0 =	rddreg [dreg:$0x3];
	s1 =	stileid.u32  }
0x5: {  	s3 =	simm.s32 $0x0;
	s4 =	srdreg.scid;
	s5 =	smul.u32 $0x2800, s1  }
0x6: {  	s15 =	simm.s32 $0x5000;
	s16 =	simm.s32 $0x0;
	s28 =	smul.u32 $0x14000, s1  }
0x7: {  	[smem:$0x7FF] =	sst s3;
	s8 =	sand.u32 $0x1, s4;
	s12 =	smul.u32 $0x50000, s1  }
0x8: {  	s31 =	sshll.u32 s1, $0x6;
	p0 =	seq.s32 s8, $0x0;
	s9 =	smul.u32 $0x140000, s8  }
0x9: {  	_ =	strace $0x8000004A;
	s8 =	ssub.s32 $0x2, s8;
	s4 =	sadd.s32 $0x28000, s5  }
0xa: {  	s29 =	sshrl.u32 s8, $0x1;
	s30 =	sshrl.u32 s12, $0x2;
	s12 =	sor.u32 $0x1C01, s31  }
0xb: {  	s4 =	smov.u32 @p0 s5;
	s5 =	sadd.s32 s28, s9;
	s13 =	ssub.s32 s8, s29  }
0xc: {  	s14 =	sadd.s32 s30, s2;
	s10 =	sshrl.u32 s4, $0x3;
	s4 =	sadd.s32 $0x20800, s6  }
0xd: {  	s9 =	sshrl.u32 s5, $0x3;
	s5 =	sadd.s32 $0x2800, s6;
	s11 =	sadd.s32 s10, s6  }
0xe: {  	s9 =	sadd.s32 s9, s6;
	s7 =	sadd.s32 s7, s10;
	s10 =	simm.s32 $0x1  }
0xf: {  	s6 =	sadd.s32 $0x16800, s11;
	s8 =	sadd.s32 $0x48800, s9;
	s9 =	smax.u32 s13, $0x1  }
0x10: {  	s11 =	simm.s32 $0x2800;
	s13 =	sshrl.u32 s14, $0x3;
	s14 =	simm.s32 $0x80  }
.LBB2_1:
0x11: {  	[tilespmem:s3], [sflag:$0x1] =	stream.linear.gather [hbm4b:s6+s3], $0x2800, $0x38;
	[tilespmem:$0x1D000] =	vst v63  }
0x12: {  	_ =	swait.ge [sflag:s10], $0x2800  }
0x13: {  	[sflag:s10] =	ssyncset.done $0x0  }
0x14: {  	[sflag:s10] =	ssyncadd.s32 $0xFFFFD800  }
0x15: {  	[tilespmem:s11], [sflag:$0x1] =	stream.linear.gather [hbm4b:s7+s3], $0x2800, $0x38;
	[tilespmem:$0x1D000] =	vst v63  }
0x16: {  	_ =	swait.ge [sflag:s10], $0x2800  }
0x17: {  	[sflag:s10] =	ssyncset.done $0x0  }
0x18: {  	[sflag:s10] =	ssyncadd.s32 $0xFFFFD800  }
0x19: {  	[spmem:s13], [sflag:s12] =	dma.local [hbm:s5], $0x2800  }
0x1a: {  	_ =	swait.ge [sflag:s10], $0x2800  }
0x1b: {  	[sflag:s10] =	ssyncset.done $0x0  }
0x1c: {  	[sflag:s10] =	ssyncadd.s32 $0xFFFFD800  }
0x1d: {  	s17 =	simm.s32 $0x0;
	[bflag:$0x0] =	sbarrier.arrive $0xFFFF  }
0x1e: {  	[tilespmem:s15], [sflag:$0x1] =	stream.indirect.gather [hbm4b:s4+s14], $0x80, s17, s14, $0xb8;
	[tilespmem:$0x1D000] =	vst v63  }
0x1f: {  	_ =	swait.ge [sflag:s10], $0x4000  }
0x20: {  	[sflag:s10] =	ssyncset.done $0x0  }
0x21: {  	s31 =	simm.s32 $0x2800;
	[sflag:s10] =	ssyncadd.s32 $0xFFFFC000  }
0x22: {  	[spmem:s2] =	stream.indirect.scatter.add.f32 [tilespmem:s15], [sflag:$0x1], $0x80, s31, s14, $0xb8;
	[tilespmem:$0x1D000] =	vst v63  }
0x23: {  	_ =	swait.ge [sflag:s10], $0x4000  }
0x24: {  	s18 =	simm.s32 $0x400;
	s17 =	simm.s32 $0x200;
	[sflag:s10] =	ssyncset.done $0x0  }
.LBB2_2:
0x25: {  	s19 =	sshra.s32 s17, $0x2  }
0x26: {  	[sflag:s10] =	ssyncadd.s32 $0xFFFFC000;
	s17 =	smov.u32 s18;
	s20 =	sadd.s32 $0x200, s18  }
0x27: {  	[tilespmem:s15], [sflag:$0x1] =	stream.indirect.gather [hbm4b:s4+s14], $0x80, s19, s14, $0xb8;
	[tilespmem:$0x1D000] =	vst v63  }
0x28: {  	p0 =	sne.s32 s18, $0x9E00;
	_ =	swait.ge [sflag:s10], $0x4000  }
.Ltmp0:
0x29: {  	[sflag:s10] =	ssyncset.done $0x0;
	(pc) =	sbr.rel @p0 .LBB2_2-.Ltmp0, $4  }
0x2a: {  	s18 =	sadd.s32 $0x2800, s19;
	[sflag:s10] =	ssyncadd.s32 $0xFFFFC000  }
0x2b: {  	[spmem:s2] =	stream.indirect.scatter.add.f32 [tilespmem:s15], [sflag:$0x1], $0x80, s18, s14, $0xb8;
	[tilespmem:$0x1D000] =	vst v63  }
0x2c: {  	_ =	swait.ge [sflag:s10], $0x4000  }
0x2d: {  	s18 =	smov.u32 s20;
	[sflag:s10] =	ssyncset.done $0x0  }
0x2e: {  	s17 =	sshra.s32 s17, $0x2;
	[sflag:s10] =	ssyncadd.s32 $0xFFFFC000  }
0x2f: {  	[tilespmem:s15], [sflag:$0x1] =	stream.indirect.gather [hbm4b:s4+s14], $0x80, s17, s14, $0xb8;
	[tilespmem:$0x1D000] =	vst v63  }
0x30: {  	_ =	swait.ge [sflag:s10], $0x4000  }
0x31: {  	[sflag:s10] =	ssyncset.done $0x0  }
0x32: {  	s17 =	sadd.s32 $0x2800, s17;
	[sflag:s10] =	ssyncadd.s32 $0xFFFFC000  }
0x33: {  	[spmem:s2] =	stream.indirect.scatter.add.f32 [tilespmem:s15], [sflag:$0x1], $0x80, s17, s14, $0xb8;
	[tilespmem:$0x1D000] =	vst v63  }
0x34: {  	_ =	swait.ge [sflag:s10], $0x4000  }
0x35: {  	s16 =	sadd.s32 $0x1, s16;
	[sflag:s10] =	ssyncset.done $0x0  }
0x36: {  	p0 =	sne.s32 s16, s9;
	[sflag:s10] =	ssyncadd.s32 $0xFFFFC000  }
.Ltmp1:
0x37: {  	[bflag:$0x0] =	sbarrier.arrive $0xFFFF;
	(pc) =	sbr.rel @p0 .LBB2_1-.Ltmp1, $4  }
0x38: {  	[hbm:s8], [sflag:s12] =	dma.local [spmem:s13], $0x2800  }
0x39: {  	_ =	swait.ge [sflag:s10], $0x2800  }
0x3a: {  	[sflag:s10] =	ssyncset.done $0x0  }
0x3b: {  	[sflag:s10] =	ssyncadd.s32 $0xFFFFD800  }
0x3c: {  	_ =	sfence.sel $0x180000  }
0x3d: {  	[bflag:$0x0] =	sbarrier.arrive $0xFFFF  }
0x3e: {  	p0 =	sne.s32 s1, $0x0;
	_ =	strace $0x9000004A  }
0x3f: {  	s0 =	sadd.s32 @!p0 $0x100000, s0;
	[bflag:$0x2] =	sbarrier.arrive $0xFFFF  }
0x40: {  	[sflag:s0] =	ssyncadd.tile.s32 @!p0 $0x1;
	_ =	shalt  }
.Lfunc_end2:
_tile_overlayer_lowered:
.L_overlay_start_2:
0x41: {  	(tag) =	ssettag $0x2  }
0x42: {  	s0 =	rddreg [dreg:$0x0];
	s2 =	stileid.u32  }
0x43: {  	s1 =	rddreg [dreg:$0x1];
	p0 =	sne.s32 s2, $0x0  }
0x44: {  	s3 =	rddreg [dreg:$0x2];
	[bflag:$0x3] =	sbarrier.arrive $0xFFFF;
	s2 =	simm.s32 @!p0 $0x1C01  }
0x45: {  	[timem:s3], [sflag:s2] =	dma.local @!p0 [hbm:s0], s1  }
0x46: {  	s0 =	simm.s32 @!p0 $0x1  }
0x47: {  	_ =	swait.ge @!p0 [sflag:s0], s1  }
0x48: {  	s1 =	ssub.s32 @!p0 $0x0, s1;
	[sflag:s0] =	ssyncset.done @!p0 $0x0  }
0x49: {  	[sflag:s0] =	ssyncadd.s32 @!p0 s1  }
0x4a: {  	[bflag:$0x3] =	sbarrier.arrive $0xFFFF  }
0x4b: {  	_ =	shalt  }

// kernel: kernel.17.cloned.1.call-start
scs
__scs_entry_jumppad:
0x0: {  	(pc) =	sbr.rel $0x88, $3  }
0x1: {  	(tag) =	ssettag $0x0;
	lr =	simm.s32 $0x1  }
0x2: {  	[smem:$0x3F99] =	sst lr;
	_ =	strace $0xD0000000  }
0x3: {  	_ = 	snop  }
0x4: {  	_ = 	snop  }
0x5: {  	_ = 	snop  }
0x6: {  	_ = 	snop  }
0x7: {  	_ = 	snop  }
__scs_overlays_trampoline_lowered:
0x8: {  	[smem:$0x3FA8] =	sst s0  }
0x9: {  	[smem:$0x3FA9] =	sst s1  }
0xa: {  	[smem:$0x3FAA] =	sst s2  }
0xb: {  	[smem:$0x3FAB] =	sst s3  }
0xc: {  	[smem:$0x3FAC] =	sst s4  }
0xd: {  	[smem:$0x3FAD] =	sst s5  }
0xe: {  	[smem:$0x3FAE] =	sst s6  }
0xf: {  	[smem:$0x3FAF] =	sst s7  }
0x10: {  	[smem:$0x3FB0] =	sst s8  }
0x11: {  	[smem:$0x3FB1] =	sst s9;
	s0 =	simm.s32 @!p0 $0x0  }
0x12: {  	s1 =	sld [smem:$0x3F97];
	s0 =	simm.s32 @p0 $0x1  }
0x13: {  	[smem:$0x3FB2] =	sst s0;
	s0 =	simm.s32 @!p1 $0x0  }
0x14: {  	s2 =	sld [smem:$0x3F96];
	s0 =	simm.s32 @p1 $0x1  }
0x15: {  	[smem:$0x3FB3] =	sst s0;
	s0 =	simm.s32 @!p2 $0x0  }
0x16: {  	s3 =	sld [smem:$0x3FDB];
	s0 =	simm.s32 @p2 $0x1  }
0x17: {  	s4 =	simm.s32 $0x1BF5;
	[smem:$0x3FB5] =	sst s0  }
0x18: {  	s0 =	sld [smem:$0x3F98];
	_ =	swait.ge [sflag:s4], $0x0  }
0x19: {  	s7 =	sld [smem:$0x3F99]  }
0x1a: {  	s8 =	sadd.s32 $0xFFFFE003, lr  }
0x1b: {  	s9 =	sadd.s32 $0xFFFFFEF7, lr;
	s5 =	simm.s32 $0xFFFFFFFF;
	p2 =	slt.u32 s8, $0xFFFFF086  }
0x1c: {  	p1 =	slt.u32 s9, $0xF7A;
	s5 =	simm.s32 @!p2 $0x0  }
0x1d: {  	s5 =	simm.s32 @p1 $0x1;
	p0 =	seq.s32 s7, s2  }
0x1e: {  	s7 =	smul.u32 @!p0 $0xF7A, s2;
	p2 =	seq.s32 @!p0 s5, $0x0  }
0x1f: {  	s9 =	smul.u32 $0xF7A, s1;
	s8 =	simm.s32 @!p0 $0x1BF5;
	p2 =	por !p2, p0  }
0x20: {  	[sflag:s8] =	ssyncset.s32 @!p0 $0xFFFFF086;
	s6 =	sadd.s32 @!p0 s3, s7;
	s7 =	simm.s32 @!p0 $0x108  }
0x21: {  	s3 =	sadd.s32 s3, s9;
	s6 =	sadd.s32 @!p0 $0x88, s6;
	s7 =	simm.s32 @p2 $0x1082  }
0x22: {  	[simem:s7], [sflag:s8] =	dma.local @!p0 [hbm:s6], $0xF7A  }
0x23: {  	s9 =	sor.u32 $0xD0000000, s2;
	s6 =	simm.s32 $0x108;
	_ =	swait.ge @!p0 [sflag:s8], $0x0  }
0x24: {  	s3 =	sadd.s32 $0x88, s3;
	s6 =	simm.s32 @!p1 $0x1082;
	[sflag:s4] =	ssyncset.s32 $0xFFFFF086  }
0x25: {  	[simem:s6], [sflag:s4] =	dma.local [hbm:s3], $0xF7A  }
0x26: {  	[smem:$0x3F99] =	sst s1;
	(tag) =	ssettag s2;
	_ =	strace s9  }
0x27: {  	s1 =	sld [smem:$0x3FA9]  }
0x28: {  	s2 =	sld [smem:$0x3FAA]  }
0x29: {  	s4 =	sld [smem:$0x3FAC]  }
0x2a: {  	p0 =	seq.s32 s5, $0x0;
	s5 =	sld [smem:$0x3FAD]  }
0x2b: {  	s6 =	sld [smem:$0x3FAE]  }
0x2c: {  	s7 =	sld [smem:$0x3FAF]  }
0x2d: {  	s3 =	simm.s32 $0x108;
	s8 =	sld [smem:$0x3FB0]  }
0x2e: {  	s3 =	simm.s32 @!p0 $0x1082;
	s9 =	sld [smem:$0x3FB1]  }
0x2f: {  	lr =	sadd.s32 s0, s3;
	s0 =	sld [smem:$0x3FA8]  }
0x30: {  	s3 =	sld [smem:$0x3FAB]  }
0x31: {  	[smem:$0x3FB4] =	sst s10  }
0x32: {  	s10 =	sld [smem:$0x3FB2];
	_ =	sdelay $0x3  }
0x33: {  	p0 =	seq.s32 s10, $0x1;
	s10 =	sld [smem:$0x3FB4];
	_ =	sdelay $0x3  }
0x34: {  	[smem:$0x3FB4] =	sst s10  }
0x35: {  	s10 =	sld [smem:$0x3FB3];
	_ =	sdelay $0x3  }
0x36: {  	p1 =	seq.s32 s10, $0x1;
	s10 =	sld [smem:$0x3FB4];
	_ =	sdelay $0x3  }
0x37: {  	[smem:$0x3FB4] =	sst s10  }
0x38: {  	s10 =	sld [smem:$0x3FB5]  }
0x39: {  	_ = 	snop;
	(pc) =	sbr.ind lr, $3  }
0x3a: {  	_ = 	snop  }
0x3b: {  	_ = 	snop  }
0x3c: {  	p2 =	seq.s32 s10, $0x1;
	s10 =	sld [smem:$0x3FB4]  }
0x3d: {  	_ =	shalt  }
0x3e: {  	_ =	shalt  }
0x3f: {  	_ =	shalt  }
0x40: {  	_ =	shalt  }
0x41: {  	_ =	shalt  }
0x42: {  	_ =	shalt  }
0x43: {  	_ =	shalt  }
0x44: {  	_ =	shalt  }
0x45: {  	_ =	shalt  }
0x46: {  	_ =	shalt  }
0x47: {  	_ =	shalt  }
0x48: {  	_ =	shalt  }
0x49: {  	_ =	shalt  }
0x4a: {  	_ =	shalt  }
0x4b: {  	_ =	shalt  }
0x4c: {  	_ =	shalt  }
0x4d: {  	_ =	shalt  }
0x4e: {  	_ =	shalt  }
0x4f: {  	_ =	shalt  }
0x50: {  	_ =	shalt  }
0x51: {  	_ =	shalt  }
0x52: {  	_ =	shalt  }
0x53: {  	_ =	shalt  }
0x54: {  	_ =	shalt  }
0x55: {  	_ =	shalt  }
0x56: {  	_ =	shalt  }
0x57: {  	_ =	shalt  }
0x58: {  	_ =	shalt  }
0x59: {  	_ =	shalt  }
0x5a: {  	_ =	shalt  }
0x5b: {  	_ =	shalt  }
0x5c: {  	_ =	shalt  }
0x5d: {  	_ =	shalt  }
0x5e: {  	_ =	shalt  }
0x5f: {  	_ =	shalt  }
0x60: {  	_ =	shalt  }
0x61: {  	_ =	shalt  }
0x62: {  	_ =	shalt  }
0x63: {  	_ =	shalt  }
0x64: {  	_ =	shalt  }
0x65: {  	_ =	shalt  }
0x66: {  	_ =	shalt  }
0x67: {  	_ =	shalt  }
0x68: {  	_ =	shalt  }
0x69: {  	_ =	shalt  }
0x6a: {  	_ =	shalt  }
0x6b: {  	_ =	shalt  }
0x6c: {  	_ =	shalt  }
0x6d: {  	_ =	shalt  }
0x6e: {  	_ =	shalt  }
0x6f: {  	_ =	shalt  }
0x70: {  	_ =	shalt  }
0x71: {  	_ =	shalt  }
0x72: {  	_ =	shalt  }
0x73: {  	_ =	shalt  }
0x74: {  	_ =	shalt  }
0x75: {  	_ =	shalt  }
0x76: {  	_ =	shalt  }
0x77: {  	_ =	shalt  }
0x78: {  	_ =	shalt  }
0x79: {  	_ =	shalt  }
0x7a: {  	_ =	shalt  }
0x7b: {  	_ =	shalt  }
0x7c: {  	_ =	shalt  }
0x7d: {  	_ =	shalt  }
0x7e: {  	_ =	shalt  }
0x7f: {  	_ =	shalt  }
0x80: {  	_ =	shalt  }
0x81: {  	_ =	shalt  }
0x82: {  	_ =	shalt  }
0x83: {  	_ =	shalt  }
0x84: {  	_ =	shalt  }
0x85: {  	_ =	shalt  }
0x86: {  	_ =	shalt  }
0x87: {  	_ =	shalt  }
.Lfunc_end0:
.L_simem_size_0:
called_computation.2_lowered:
.L_overlay_start_0:
0x88: {  	s2 =	sld [smem:$0x3FD9]  }
0x89: {  	s3 =	sld [smem:$0x3FFE];
	_ =	sdelay $0x1  }
0x8a: {  	s1 =	srdreg.scid  }
0x8b: {  	s0 =	sand.u32 $0x1, s1  }
0x8c: {  	s14 =	sshll.u32 s0, $0xA;
	s2 =	sadd.s32 s3, s2  }
0x8d: {  	s2 =	sadd.s32 s2, s14  }
0x8e: {  	[smem:$0x3FC0] =	sst s2  }
0x8f: {  	_ = 	snop  }
0x90: {  	s2 =	sld [smem:$0x3FD0];
	_ =	sdelay $0x2  }
0x91: {  	s15 =	simm.s32 $0xA;
	s4 =	simm.s32 $0x10  }
0x92: {  	[smem:s4], [sflag:s15] =	dma.local [hbm:s2], $0x1  }
0x93: {  	_ =	swait.eq [sflag:s15], $0x1  }
0x94: {  	[sflag:s15] =	ssyncset.done $0x0  }
0x95: {  	[sflag:s15] =	ssyncadd.s32 $0xFFFFFFFF  }
0x96: {  	s16 =	sld [smem:$0x10];
	(tm) =	ssettm $0x1  }
0x97: {  	s17 =	sld [smem:$0x3FFB];
	_ =	sdelay $0x3  }
0x98: {  	_ =	strace s17  }
0x99: {  	s3 =	sld [smem:$0x3FFC];
	_ =	sdelay $0x3  }
0x9a: {  	_ =	strace s3  }
0x9b: {  	s3 =	sld [smem:$0x3FFD];
	_ =	sdelay $0x3  }
0x9c: {  	_ =	strace s3  }
0x9d: {  	_ =	strace $0x8FFFFFFF  }
0x9e: {  	s18 =	sld [smem:$0x3FDB];
	_ =	sdelay $0x1  }
0x9f: {  	s19 =	simm.s32 $_scs_section_size  }
0xa0: {  	s5 =	simm.s32 $_size__tile_overlayer_lowered;
	s6 =	simm.s32 $_tile_overlayer_lowered  }
0xa1: {  	s22 =	simm.s32 $0x1BFF;
	s21 =	sshll.u32 s6, $0x1;
	s3 =	sadd.s32 s19, s18  }
0xa2: {  	s7 =	simm.s32 $0x0;
	s20 =	sshll.u32 s5, $0x1;
	s5 =	sadd.s32 s21, s3  }
0xa3: {  	[timem:s7], [sflag:s22] =	dma.local [hbm:s5], s20  }
0xa4: {  	_ =	swait.ge [sflag:s22], s20  }
0xa5: {  	s4 =	ssub.s32 $0x0, s20;
	[sflag:s22] =	ssyncset.done $0x0  }
0xa6: {  	[sflag:s22] =	ssyncadd.s32 s4;
	_ =	sdelay $0x1  }
0xa7: {  	s23 =	simm.s32 $0x1B8B  }
0xa8: {  	_ =	swait.ge [sflag:s23], $0x1  }
0xa9: {  	[sflag:s23] =	ssyncset.done $0x0  }
0xaa: {  	s25 =	simm.s32 $0x1B8E;
	s24 =	sld [smem:$0x3FFE];
	[sflag:s23] =	ssyncadd.s32 $0xFFFFFFFF  }
0xab: {  	s26 =	simm.s32 $execute0_lowered;
	[smem:$0x3FD2] =	sst s25  }
0xac: {  	s5 =	sshll.u32 s26, $0x1;
	_ =	strace $0x8000004C;
	[dreg:$0x1] =	wrdreg $0xFFFFFFFF  }
0xad: {  	s28 =	simm.s32 $_size_execute0_lowered;
	s3 =	sadd.s32 s3, s5;
	[dreg:$0x0] =	wrdreg $0x0  }
0xae: {  	s5 =	sshll.u32 s28, $0x1;
	[dreg:$0x2] =	wrdreg s3  }
0xaf: {  	[dreg:$0x3] =	wrdreg s5  }
0xb0: {  	[dreg:$0x4] =	wrdreg $0xC0  }
0xb1: {  	_ =	task [dreg:s7], $0x5FFFF  }
0xb2: {  	[dreg:$0x1] =	wrdreg $0xFFFFFFFF  }
0xb3: {  	[dreg:$0x0] =	wrdreg $0x60  }
0xb4: {  	[dreg:$0x2] =	wrdreg s24  }
0xb5: {  	[dreg:$0x3] =	wrdreg s16  }
0xb6: {  	[dreg:$0x4] =	wrdreg $0x90000  }
0xb7: {  	[dreg:$0x5] =	wrdreg $0x9  }
0xb8: {  	_ =	task.clear_ibuf [dreg:s7], $0x6FFFF;
	_ =	strace $0x9000004C  }
0xb9: {  	s29 =	simm.s32 $0x9;
	_ =	strace $0x8000004E  }
0xba: {  	_ =	swait.ge [sflag:s29], $0x1  }
0xbb: {  	[sflag:s29] =	ssyncadd.s32 $0xFFFFFFFF  }
0xbc: {  	_ =	strace $0x9000004E  }
0xbd: {  	_ =	sfence  }
0xbe: {  	s30 =	sld [smem:$0x0];
	_ =	sdelay $0x2  }
0xbf: {  	s31 =	sshll.u32 s1, $0xD;
	s1 =	sshrl.u32 s1, $0x2  }
0xc0: {  	s3 =	sand.u32 $0x4000, s31;
	s1 =	sadd.s32 s1, s30  }
0xc1: {  	s0 =	sor.u32 s3, s0;
	s1 =	sshll.u32 s1, $0x11  }
0xc2: {  	s0 =	sor.u32 s1, s0  }
0xc3: {  	s0 =	sadd.s32 $0x8F2B, s0  }
0xc4: {  	[sflag:s0] =	ssyncadd.remote.s32 $0x1  }
0xc5: {  	_ =	sfence.sel $0xFFFF  }
0xc6: {  	[dreg:$0x0] =	wrdreg $0xFFFFFFFF;
	(pc) =	sbr.abs _section_cstart, $3  }
0xc7: {  	[dreg:$0x1] =	wrdreg $0xFFFFFFFF  }
0xc8: {  	_ =	task.clear_ibuf [dreg:s7], $0x2FFFF;
	_ =	strace $0x9FFFFFFF  }
0xc9: {  	(tm) =	ssettm $0x7FFFFFFF  }
tec
execute0_lowered:
.L_overlay_start_1:
0x0: {  	(tag) =	ssettag $0x1  }
0x1: {  	s6 =	rddreg [dreg:$0x0]  }
0x2: {  	s7 =	rddreg [dreg:$0x1]  }
0x3: {  	s2 =	rddreg [dreg:$0x2]  }
0x4: {  	s0 =	rddreg [dreg:$0x3];
	s1 =	stileid.u32  }
0x5: {  	s3 =	simm.s32 $0x0;
	s4 =	srdreg.scid;
	s5 =	smul.u32 $0x2800, s1  }
0x6: {  	s15 =	simm.s32 $0x5000;
	s16 =	simm.s32 $0x0;
	s28 =	smul.u32 $0x14000, s1  }
0x7: {  	[smem:$0x7FF] =	sst s3;
	s8 =	sand.u32 $0x1, s4;
	s12 =	smul.u32 $0x50000, s1  }
0x8: {  	s31 =	sshll.u32 s1, $0x6;
	p0 =	seq.s32 s8, $0x0;
	s9 =	smul.u32 $0x140000, s8  }
0x9: {  	_ =	strace $0x8000004D;
	s8 =	ssub.s32 $0x2, s8;
	s4 =	sadd.s32 $0x28000, s5  }
0xa: {  	s29 =	sshrl.u32 s8, $0x1;
	s30 =	sshrl.u32 s12, $0x2;
	s12 =	sor.u32 $0x1C01, s31  }
0xb: {  	s4 =	smov.u32 @p0 s5;
	s5 =	sadd.s32 s28, s9;
	s13 =	ssub.s32 s8, s29  }
0xc: {  	s14 =	sadd.s32 s30, s2;
	s10 =	sshrl.u32 s4, $0x3;
	s4 =	sadd.s32 $0x20800, s6  }
0xd: {  	s9 =	sshrl.u32 s5, $0x3;
	s5 =	sadd.s32 $0x2800, s6;
	s11 =	sadd.s32 s10, s6  }
0xe: {  	s9 =	sadd.s32 s9, s6;
	s7 =	sadd.s32 s7, s10;
	s10 =	simm.s32 $0x1  }
0xf: {  	s6 =	sadd.s32 $0x16800, s11;
	s8 =	sadd.s32 $0x48800, s9;
	s9 =	smax.u32 s13, $0x1  }
0x10: {  	s11 =	simm.s32 $0x2800;
	s13 =	sshrl.u32 s14, $0x3;
	s14 =	simm.s32 $0x80  }
.LBB2_1:
0x11: {  	[tilespmem:s3], [sflag:$0x1] =	stream.linear.gather [hbm4b:s6+s3], $0x2800, $0x38;
	[tilespmem:$0x1D000] =	vst v63  }
0x12: {  	_ =	swait.ge [sflag:s10], $0x2800  }
0x13: {  	[sflag:s10] =	ssyncset.done $0x0  }
0x14: {  	[sflag:s10] =	ssyncadd.s32 $0xFFFFD800  }
0x15: {  	[tilespmem:s11], [sflag:$0x1] =	stream.linear.gather [hbm4b:s7+s3], $0x2800, $0x38;
	[tilespmem:$0x1D000] =	vst v63  }
0x16: {  	_ =	swait.ge [sflag:s10], $0x2800  }
0x17: {  	[sflag:s10] =	ssyncset.done $0x0  }
0x18: {  	[sflag:s10] =	ssyncadd.s32 $0xFFFFD800  }
0x19: {  	[spmem:s13], [sflag:s12] =	dma.local [hbm:s5], $0x2800  }
0x1a: {  	_ =	swait.ge [sflag:s10], $0x2800  }
0x1b: {  	[sflag:s10] =	ssyncset.done $0x0  }
0x1c: {  	[sflag:s10] =	ssyncadd.s32 $0xFFFFD800  }
0x1d: {  	s17 =	simm.s32 $0x0;
	[bflag:$0x0] =	sbarrier.arrive $0xFFFF  }
0x1e: {  	[tilespmem:s15], [sflag:$0x1] =	stream.indirect.gather [hbm4b:s4+s14], $0x80, s17, s14, $0xb8;
	[tilespmem:$0x1D000] =	vst v63  }
0x1f: {  	_ =	swait.ge [sflag:s10], $0x4000  }
0x20: {  	[sflag:s10] =	ssyncset.done $0x0  }
0x21: {  	s31 =	simm.s32 $0x2800;
	[sflag:s10] =	ssyncadd.s32 $0xFFFFC000  }
0x22: {  	[spmem:s2] =	stream.indirect.scatter.add.f32 [tilespmem:s15], [sflag:$0x1], $0x80, s31, s14, $0xb8;
	[tilespmem:$0x1D000] =	vst v63  }
0x23: {  	_ =	swait.ge [sflag:s10], $0x4000  }
0x24: {  	s18 =	simm.s32 $0x400;
	s17 =	simm.s32 $0x200;
	[sflag:s10] =	ssyncset.done $0x0  }
.LBB2_2:
0x25: {  	s19 =	sshra.s32 s17, $0x2  }
0x26: {  	[sflag:s10] =	ssyncadd.s32 $0xFFFFC000;
	s17 =	smov.u32 s18;
	s20 =	sadd.s32 $0x200, s18  }
0x27: {  	[tilespmem:s15], [sflag:$0x1] =	stream.indirect.gather [hbm4b:s4+s14], $0x80, s19, s14, $0xb8;
	[tilespmem:$0x1D000] =	vst v63  }
0x28: {  	p0 =	sne.s32 s18, $0x9E00;
	_ =	swait.ge [sflag:s10], $0x4000  }
.Ltmp0:
0x29: {  	[sflag:s10] =	ssyncset.done $0x0;
	(pc) =	sbr.rel @p0 .LBB2_2-.Ltmp0, $4  }
0x2a: {  	s18 =	sadd.s32 $0x2800, s19;
	[sflag:s10] =	ssyncadd.s32 $0xFFFFC000  }
0x2b: {  	[spmem:s2] =	stream.indirect.scatter.add.f32 [tilespmem:s15], [sflag:$0x1], $0x80, s18, s14, $0xb8;
	[tilespmem:$0x1D000] =	vst v63  }
0x2c: {  	_ =	swait.ge [sflag:s10], $0x4000  }
0x2d: {  	s18 =	smov.u32 s20;
	[sflag:s10] =	ssyncset.done $0x0  }
0x2e: {  	s17 =	sshra.s32 s17, $0x2;
	[sflag:s10] =	ssyncadd.s32 $0xFFFFC000  }
0x2f: {  	[tilespmem:s15], [sflag:$0x1] =	stream.indirect.gather [hbm4b:s4+s14], $0x80, s17, s14, $0xb8;
	[tilespmem:$0x1D000] =	vst v63  }
0x30: {  	_ =	swait.ge [sflag:s10], $0x4000  }
0x31: {  	[sflag:s10] =	ssyncset.done $0x0  }
0x32: {  	s17 =	sadd.s32 $0x2800, s17;
	[sflag:s10] =	ssyncadd.s32 $0xFFFFC000  }
0x33: {  	[spmem:s2] =	stream.indirect.scatter.add.f32 [tilespmem:s15], [sflag:$0x1], $0x80, s17, s14, $0xb8;
	[tilespmem:$0x1D000] =	vst v63  }
0x34: {  	_ =	swait.ge [sflag:s10], $0x4000  }
0x35: {  	s16 =	sadd.s32 $0x1, s16;
	[sflag:s10] =	ssyncset.done $0x0  }
0x36: {  	p0 =	sne.s32 s16, s9;
	[sflag:s10] =	ssyncadd.s32 $0xFFFFC000  }
.Ltmp1:
0x37: {  	[bflag:$0x0] =	sbarrier.arrive $0xFFFF;
	(pc) =	sbr.rel @p0 .LBB2_1-.Ltmp1, $4  }
0x38: {  	[hbm:s8], [sflag:s12] =	dma.local [spmem:s13], $0x2800  }
0x39: {  	_ =	swait.ge [sflag:s10], $0x2800  }
0x3a: {  	[sflag:s10] =	ssyncset.done $0x0  }
0x3b: {  	[sflag:s10] =	ssyncadd.s32 $0xFFFFD800  }
0x3c: {  	_ =	sfence.sel $0x180000  }
0x3d: {  	[bflag:$0x0] =	sbarrier.arrive $0xFFFF  }
0x3e: {  	p0 =	sne.s32 s1, $0x0;
	_ =	strace $0x9000004D  }
0x3f: {  	s0 =	sadd.s32 @!p0 $0x100000, s0;
	[bflag:$0x2] =	sbarrier.arrive $0xFFFF  }
0x40: {  	[sflag:s0] =	ssyncadd.tile.s32 @!p0 $0x1;
	_ =	shalt  }
.Lfunc_end2:
_tile_overlayer_lowered:
.L_overlay_start_2:
0x41: {  	(tag) =	ssettag $0x2  }
0x42: {  	s0 =	rddreg [dreg:$0x0];
	s2 =	stileid.u32  }
0x43: {  	s1 =	rddreg [dreg:$0x1];
	p0 =	sne.s32 s2, $0x0  }
0x44: {  	s3 =	rddreg [dreg:$0x2];
	[bflag:$0x3] =	sbarrier.arrive $0xFFFF;
	s2 =	simm.s32 @!p0 $0x1C01  }
0x45: {  	[timem:s3], [sflag:s2] =	dma.local @!p0 [hbm:s0], s1  }
0x46: {  	s0 =	simm.s32 @!p0 $0x1  }
0x47: {  	_ =	swait.ge @!p0 [sflag:s0], s1  }
0x48: {  	s1 =	ssub.s32 @!p0 $0x0, s1;
	[sflag:s0] =	ssyncset.done @!p0 $0x0  }
0x49: {  	[sflag:s0] =	ssyncadd.s32 @!p0 s1  }
0x4a: {  	[bflag:$0x3] =	sbarrier.arrive $0xFFFF  }
0x4b: {  	_ =	shalt  }

// kernel: kernel.20.cloned.1.call-start
scs
__scs_entry_jumppad:
0x0: {  	(pc) =	sbr.rel $0x88, $3  }
0x1: {  	(tag) =	ssettag $0x0;
	lr =	simm.s32 $0x1  }
0x2: {  	[smem:$0x3F99] =	sst lr;
	_ =	strace $0xD0000000  }
0x3: {  	_ = 	snop  }
0x4: {  	_ = 	snop  }
0x5: {  	_ = 	snop  }
0x6: {  	_ = 	snop  }
0x7: {  	_ = 	snop  }
__scs_overlays_trampoline_lowered:
0x8: {  	[smem:$0x3FA8] =	sst s0  }
0x9: {  	[smem:$0x3FA9] =	sst s1  }
0xa: {  	[smem:$0x3FAA] =	sst s2  }
0xb: {  	[smem:$0x3FAB] =	sst s3  }
0xc: {  	[smem:$0x3FAC] =	sst s4  }
0xd: {  	[smem:$0x3FAD] =	sst s5  }
0xe: {  	[smem:$0x3FAE] =	sst s6  }
0xf: {  	[smem:$0x3FAF] =	sst s7  }
0x10: {  	[smem:$0x3FB0] =	sst s8  }
0x11: {  	[smem:$0x3FB1] =	sst s9;
	s0 =	simm.s32 @!p0 $0x0  }
0x12: {  	s1 =	sld [smem:$0x3F97];
	s0 =	simm.s32 @p0 $0x1  }
0x13: {  	[smem:$0x3FB2] =	sst s0;
	s0 =	simm.s32 @!p1 $0x0  }
0x14: {  	s2 =	sld [smem:$0x3F96];
	s0 =	simm.s32 @p1 $0x1  }
0x15: {  	[smem:$0x3FB3] =	sst s0;
	s0 =	simm.s32 @!p2 $0x0  }
0x16: {  	s3 =	sld [smem:$0x3FDB];
	s0 =	simm.s32 @p2 $0x1  }
0x17: {  	s4 =	simm.s32 $0x1BF5;
	[smem:$0x3FB5] =	sst s0  }
0x18: {  	s0 =	sld [smem:$0x3F98];
	_ =	swait.ge [sflag:s4], $0x0  }
0x19: {  	s7 =	sld [smem:$0x3F99]  }
0x1a: {  	s8 =	sadd.s32 $0xFFFFE003, lr  }
0x1b: {  	s9 =	sadd.s32 $0xFFFFFEF7, lr;
	s5 =	simm.s32 $0xFFFFFFFF;
	p2 =	slt.u32 s8, $0xFFFFF086  }
0x1c: {  	p1 =	slt.u32 s9, $0xF7A;
	s5 =	simm.s32 @!p2 $0x0  }
0x1d: {  	s5 =	simm.s32 @p1 $0x1;
	p0 =	seq.s32 s7, s2  }
0x1e: {  	s7 =	smul.u32 @!p0 $0xF7A, s2;
	p2 =	seq.s32 @!p0 s5, $0x0  }
0x1f: {  	s9 =	smul.u32 $0xF7A, s1;
	s8 =	simm.s32 @!p0 $0x1BF5;
	p2 =	por !p2, p0  }
0x20: {  	[sflag:s8] =	ssyncset.s32 @!p0 $0xFFFFF086;
	s6 =	sadd.s32 @!p0 s3, s7;
	s7 =	simm.s32 @!p0 $0x108  }
0x21: {  	s3 =	sadd.s32 s3, s9;
	s6 =	sadd.s32 @!p0 $0x88, s6;
	s7 =	simm.s32 @p2 $0x1082  }
0x22: {  	[simem:s7], [sflag:s8] =	dma.local @!p0 [hbm:s6], $0xF7A  }
0x23: {  	s9 =	sor.u32 $0xD0000000, s2;
	s6 =	simm.s32 $0x108;
	_ =	swait.ge @!p0 [sflag:s8], $0x0  }
0x24: {  	s3 =	sadd.s32 $0x88, s3;
	s6 =	simm.s32 @!p1 $0x1082;
	[sflag:s4] =	ssyncset.s32 $0xFFFFF086  }
0x25: {  	[simem:s6], [sflag:s4] =	dma.local [hbm:s3], $0xF7A  }
0x26: {  	[smem:$0x3F99] =	sst s1;
	(tag) =	ssettag s2;
	_ =	strace s9  }
0x27: {  	s1 =	sld [smem:$0x3FA9]  }
0x28: {  	s2 =	sld [smem:$0x3FAA]  }
0x29: {  	s4 =	sld [smem:$0x3FAC]  }
0x2a: {  	p0 =	seq.s32 s5, $0x0;
	s5 =	sld [smem:$0x3FAD]  }
0x2b: {  	s6 =	sld [smem:$0x3FAE]  }
0x2c: {  	s7 =	sld [smem:$0x3FAF]  }
0x2d: {  	s3 =	simm.s32 $0x108;
	s8 =	sld [smem:$0x3FB0]  }
0x2e: {  	s3 =	simm.s32 @!p0 $0x1082;
	s9 =	sld [smem:$0x3FB1]  }
0x2f: {  	lr =	sadd.s32 s0, s3;
	s0 =	sld [smem:$0x3FA8]  }
0x30: {  	s3 =	sld [smem:$0x3FAB]  }
0x31: {  	[smem:$0x3FB4] =	sst s10  }
0x32: {  	s10 =	sld [smem:$0x3FB2];
	_ =	sdelay $0x3  }
0x33: {  	p0 =	seq.s32 s10, $0x1;
	s10 =	sld [smem:$0x3FB4];
	_ =	sdelay $0x3  }
0x34: {  	[smem:$0x3FB4] =	sst s10  }
0x35: {  	s10 =	sld [smem:$0x3FB3];
	_ =	sdelay $0x3  }
0x36: {  	p1 =	seq.s32 s10, $0x1;
	s10 =	sld [smem:$0x3FB4];
	_ =	sdelay $0x3  }
0x37: {  	[smem:$0x3FB4] =	sst s10  }
0x38: {  	s10 =	sld [smem:$0x3FB5]  }
0x39: {  	_ = 	snop;
	(pc) =	sbr.ind lr, $3  }
0x3a: {  	_ = 	snop  }
0x3b: {  	_ = 	snop  }
0x3c: {  	p2 =	seq.s32 s10, $0x1;
	s10 =	sld [smem:$0x3FB4]  }
0x3d: {  	_ =	shalt  }
0x3e: {  	_ =	shalt  }
0x3f: {  	_ =	shalt  }
0x40: {  	_ =	shalt  }
0x41: {  	_ =	shalt  }
0x42: {  	_ =	shalt  }
0x43: {  	_ =	shalt  }
0x44: {  	_ =	shalt  }
0x45: {  	_ =	shalt  }
0x46: {  	_ =	shalt  }
0x47: {  	_ =	shalt  }
0x48: {  	_ =	shalt  }
0x49: {  	_ =	shalt  }
0x4a: {  	_ =	shalt  }
0x4b: {  	_ =	shalt  }
0x4c: {  	_ =	shalt  }
0x4d: {  	_ =	shalt  }
0x4e: {  	_ =	shalt  }
0x4f: {  	_ =	shalt  }
0x50: {  	_ =	shalt  }
0x51: {  	_ =	shalt  }
0x52: {  	_ =	shalt  }
0x53: {  	_ =	shalt  }
0x54: {  	_ =	shalt  }
0x55: {  	_ =	shalt  }
0x56: {  	_ =	shalt  }
0x57: {  	_ =	shalt  }
0x58: {  	_ =	shalt  }
0x59: {  	_ =	shalt  }
0x5a: {  	_ =	shalt  }
0x5b: {  	_ =	shalt  }
0x5c: {  	_ =	shalt  }
0x5d: {  	_ =	shalt  }
0x5e: {  	_ =	shalt  }
0x5f: {  	_ =	shalt  }
0x60: {  	_ =	shalt  }
0x61: {  	_ =	shalt  }
0x62: {  	_ =	shalt  }
0x63: {  	_ =	shalt  }
0x64: {  	_ =	shalt  }
0x65: {  	_ =	shalt  }
0x66: {  	_ =	shalt  }
0x67: {  	_ =	shalt  }
0x68: {  	_ =	shalt  }
0x69: {  	_ =	shalt  }
0x6a: {  	_ =	shalt  }
0x6b: {  	_ =	shalt  }
0x6c: {  	_ =	shalt  }
0x6d: {  	_ =	shalt  }
0x6e: {  	_ =	shalt  }
0x6f: {  	_ =	shalt  }
0x70: {  	_ =	shalt  }
0x71: {  	_ =	shalt  }
0x72: {  	_ =	shalt  }
0x73: {  	_ =	shalt  }
0x74: {  	_ =	shalt  }
0x75: {  	_ =	shalt  }
0x76: {  	_ =	shalt  }
0x77: {  	_ =	shalt  }
0x78: {  	_ =	shalt  }
0x79: {  	_ =	shalt  }
0x7a: {  	_ =	shalt  }
0x7b: {  	_ =	shalt  }
0x7c: {  	_ =	shalt  }
0x7d: {  	_ =	shalt  }
0x7e: {  	_ =	shalt  }
0x7f: {  	_ =	shalt  }
0x80: {  	_ =	shalt  }
0x81: {  	_ =	shalt  }
0x82: {  	_ =	shalt  }
0x83: {  	_ =	shalt  }
0x84: {  	_ =	shalt  }
0x85: {  	_ =	shalt  }
0x86: {  	_ =	shalt  }
0x87: {  	_ =	shalt  }
.Lfunc_end0:
.L_simem_size_0:
called_computation.3_lowered:
.L_overlay_start_0:
0x88: {  	s2 =	sld [smem:$0x3FD9]  }
0x89: {  	s3 =	sld [smem:$0x3FFE];
	_ =	sdelay $0x1  }
0x8a: {  	s1 =	srdreg.scid  }
0x8b: {  	s0 =	sand.u32 $0x1, s1  }
0x8c: {  	s14 =	sshll.u32 s0, $0xA;
	s2 =	sadd.s32 s3, s2  }
0x8d: {  	s2 =	sadd.s32 s2, s14  }
0x8e: {  	[smem:$0x3FC0] =	sst s2  }
0x8f: {  	_ = 	snop  }
0x90: {  	s2 =	sld [smem:$0x3FD0];
	_ =	sdelay $0x2  }
0x91: {  	s15 =	simm.s32 $0xA;
	s4 =	simm.s32 $0x10  }
0x92: {  	[smem:s4], [sflag:s15] =	dma.local [hbm:s2], $0x1  }
0x93: {  	_ =	swait.eq [sflag:s15], $0x1  }
0x94: {  	[sflag:s15] =	ssyncset.done $0x0  }
0x95: {  	[sflag:s15] =	ssyncadd.s32 $0xFFFFFFFF  }
0x96: {  	s16 =	sld [smem:$0x10];
	(tm) =	ssettm $0x1  }
0x97: {  	s17 =	sld [smem:$0x3FFB];
	_ =	sdelay $0x3  }
0x98: {  	_ =	strace s17  }
0x99: {  	s3 =	sld [smem:$0x3FFC];
	_ =	sdelay $0x3  }
0x9a: {  	_ =	strace s3  }
0x9b: {  	s3 =	sld [smem:$0x3FFD];
	_ =	sdelay $0x3  }
0x9c: {  	_ =	strace s3  }
0x9d: {  	_ =	strace $0x8FFFFFFF  }
0x9e: {  	s18 =	sld [smem:$0x3FDB];
	_ =	sdelay $0x1  }
0x9f: {  	s19 =	simm.s32 $_scs_section_size  }
0xa0: {  	s5 =	simm.s32 $_size__tile_overlayer_lowered;
	s6 =	simm.s32 $_tile_overlayer_lowered  }
0xa1: {  	s22 =	simm.s32 $0x1BFF;
	s21 =	sshll.u32 s6, $0x1;
	s3 =	sadd.s32 s19, s18  }
0xa2: {  	s7 =	simm.s32 $0x0;
	s20 =	sshll.u32 s5, $0x1;
	s5 =	sadd.s32 s21, s3  }
0xa3: {  	[timem:s7], [sflag:s22] =	dma.local [hbm:s5], s20  }
0xa4: {  	_ =	swait.ge [sflag:s22], s20  }
0xa5: {  	s4 =	ssub.s32 $0x0, s20;
	[sflag:s22] =	ssyncset.done $0x0  }
0xa6: {  	[sflag:s22] =	ssyncadd.s32 s4;
	_ =	sdelay $0x1  }
0xa7: {  	s23 =	simm.s32 $0x1B8B  }
0xa8: {  	_ =	swait.ge [sflag:s23], $0x1  }
0xa9: {  	[sflag:s23] =	ssyncset.done $0x0  }
0xaa: {  	s25 =	simm.s32 $0x1B8E;
	s24 =	sld [smem:$0x3FFE];
	[sflag:s23] =	ssyncadd.s32 $0xFFFFFFFF  }
0xab: {  	s26 =	simm.s32 $execute0_lowered;
	[smem:$0x3FD2] =	sst s25  }
0xac: {  	s5 =	sshll.u32 s26, $0x1;
	_ =	strace $0x8000004F;
	[dreg:$0x1] =	wrdreg $0xFFFFFFFF  }
0xad: {  	s28 =	simm.s32 $_size_execute0_lowered;
	s3 =	sadd.s32 s3, s5;
	[dreg:$0x0] =	wrdreg $0x0  }
0xae: {  	s5 =	sshll.u32 s28, $0x1;
	[dreg:$0x2] =	wrdreg s3  }
0xaf: {  	[dreg:$0x3] =	wrdreg s5  }
0xb0: {  	[dreg:$0x4] =	wrdreg $0xC0  }
0xb1: {  	_ =	task [dreg:s7], $0x5FFFF  }
0xb2: {  	[dreg:$0x1] =	wrdreg $0xFFFFFFFF  }
0xb3: {  	[dreg:$0x0] =	wrdreg $0x60  }
0xb4: {  	[dreg:$0x2] =	wrdreg s24  }
0xb5: {  	[dreg:$0x3] =	wrdreg s16  }
0xb6: {  	[dreg:$0x4] =	wrdreg $0x90000  }
0xb7: {  	[dreg:$0x5] =	wrdreg $0x9  }
0xb8: {  	_ =	task.clear_ibuf [dreg:s7], $0x6FFFF;
	_ =	strace $0x9000004F  }
0xb9: {  	s29 =	simm.s32 $0x9;
	_ =	strace $0x80000051  }
0xba: {  	_ =	swait.ge [sflag:s29], $0x1  }
0xbb: {  	[sflag:s29] =	ssyncadd.s32 $0xFFFFFFFF  }
0xbc: {  	_ =	strace $0x90000051  }
0xbd: {  	_ =	sfence  }
0xbe: {  	s30 =	sld [smem:$0x0];
	_ =	sdelay $0x2  }
0xbf: {  	s31 =	sshll.u32 s1, $0xD;
	s1 =	sshrl.u32 s1, $0x2  }
0xc0: {  	s3 =	sand.u32 $0x4000, s31;
	s1 =	sadd.s32 s1, s30  }
0xc1: {  	s0 =	sor.u32 s3, s0;
	s1 =	sshll.u32 s1, $0x11  }
0xc2: {  	s0 =	sor.u32 s1, s0  }
0xc3: {  	s0 =	sadd.s32 $0x8F2B, s0  }
0xc4: {  	[sflag:s0] =	ssyncadd.remote.s32 $0x1  }
0xc5: {  	_ =	sfence.sel $0xFFFF  }
0xc6: {  	[dreg:$0x0] =	wrdreg $0xFFFFFFFF;
	(pc) =	sbr.abs _section_cstart, $3  }
0xc7: {  	[dreg:$0x1] =	wrdreg $0xFFFFFFFF  }
0xc8: {  	_ =	task.clear_ibuf [dreg:s7], $0x2FFFF;
	_ =	strace $0x9FFFFFFF  }
0xc9: {  	(tm) =	ssettm $0x7FFFFFFF  }
tec
execute0_lowered:
.L_overlay_start_1:
0x0: {  	(tag) =	ssettag $0x1  }
0x1: {  	s6 =	rddreg [dreg:$0x0]  }
0x2: {  	s7 =	rddreg [dreg:$0x1]  }
0x3: {  	s2 =	rddreg [dreg:$0x2]  }
0x4: {  	s0 =	rddreg [dreg:$0x3];
	s1 =	stileid.u32  }
0x5: {  	s3 =	simm.s32 $0x0;
	s4 =	srdreg.scid;
	s5 =	smul.u32 $0x2800, s1  }
0x6: {  	s15 =	simm.s32 $0x5000;
	s16 =	simm.s32 $0x0;
	s28 =	smul.u32 $0x14000, s1  }
0x7: {  	[smem:$0x7FF] =	sst s3;
	s8 =	sand.u32 $0x1, s4;
	s12 =	smul.u32 $0x50000, s1  }
0x8: {  	s31 =	sshll.u32 s1, $0x6;
	p0 =	seq.s32 s8, $0x0;
	s9 =	smul.u32 $0x140000, s8  }
0x9: {  	_ =	strace $0x80000050;
	s8 =	ssub.s32 $0x2, s8;
	s4 =	sadd.s32 $0x28000, s5  }
0xa: {  	s29 =	sshrl.u32 s8, $0x1;
	s30 =	sshrl.u32 s12, $0x2;
	s12 =	sor.u32 $0x1C01, s31  }
0xb: {  	s4 =	smov.u32 @p0 s5;
	s5 =	sadd.s32 s28, s9;
	s13 =	ssub.s32 s8, s29  }
0xc: {  	s14 =	sadd.s32 s30, s2;
	s10 =	sshrl.u32 s4, $0x3;
	s4 =	sadd.s32 $0x20800, s6  }
0xd: {  	s9 =	sshrl.u32 s5, $0x3;
	s5 =	sadd.s32 $0x2800, s6;
	s11 =	sadd.s32 s10, s6  }
0xe: {  	s9 =	sadd.s32 s9, s6;
	s7 =	sadd.s32 s7, s10;
	s10 =	simm.s32 $0x1  }
0xf: {  	s6 =	sadd.s32 $0x16800, s11;
	s8 =	sadd.s32 $0x48800, s9;
	s9 =	smax.u32 s13, $0x1  }
0x10: {  	s11 =	simm.s32 $0x2800;
	s13 =	sshrl.u32 s14, $0x3;
	s14 =	simm.s32 $0x80  }
.LBB2_1:
0x11: {  	[tilespmem:s3], [sflag:$0x1] =	stream.linear.gather [hbm4b:s6+s3], $0x2800, $0x38;
	[tilespmem:$0x1D000] =	vst v63  }
0x12: {  	_ =	swait.ge [sflag:s10], $0x2800  }
0x13: {  	[sflag:s10] =	ssyncset.done $0x0  }
0x14: {  	[sflag:s10] =	ssyncadd.s32 $0xFFFFD800  }
0x15: {  	[tilespmem:s11], [sflag:$0x1] =	stream.linear.gather [hbm4b:s7+s3], $0x2800, $0x38;
	[tilespmem:$0x1D000] =	vst v63  }
0x16: {  	_ =	swait.ge [sflag:s10], $0x2800  }
0x17: {  	[sflag:s10] =	ssyncset.done $0x0  }
0x18: {  	[sflag:s10] =	ssyncadd.s32 $0xFFFFD800  }
0x19: {  	[spmem:s13], [sflag:s12] =	dma.local [hbm:s5], $0x2800  }
0x1a: {  	_ =	swait.ge [sflag:s10], $0x2800  }
0x1b: {  	[sflag:s10] =	ssyncset.done $0x0  }
0x1c: {  	[sflag:s10] =	ssyncadd.s32 $0xFFFFD800  }
0x1d: {  	s17 =	simm.s32 $0x0;
	[bflag:$0x0] =	sbarrier.arrive $0xFFFF  }
0x1e: {  	[tilespmem:s15], [sflag:$0x1] =	stream.indirect.gather [hbm4b:s4+s14], $0x80, s17, s14, $0xb8;
	[tilespmem:$0x1D000] =	vst v63  }
0x1f: {  	_ =	swait.ge [sflag:s10], $0x4000  }
0x20: {  	[sflag:s10] =	ssyncset.done $0x0  }
0x21: {  	s31 =	simm.s32 $0x2800;
	[sflag:s10] =	ssyncadd.s32 $0xFFFFC000  }
0x22: {  	[spmem:s2] =	stream.indirect.scatter.add.f32 [tilespmem:s15], [sflag:$0x1], $0x80, s31, s14, $0xb8;
	[tilespmem:$0x1D000] =	vst v63  }
0x23: {  	_ =	swait.ge [sflag:s10], $0x4000  }
0x24: {  	s18 =	simm.s32 $0x400;
	s17 =	simm.s32 $0x200;
	[sflag:s10] =	ssyncset.done $0x0  }
.LBB2_2:
0x25: {  	s19 =	sshra.s32 s17, $0x2  }
0x26: {  	[sflag:s10] =	ssyncadd.s32 $0xFFFFC000;
	s17 =	smov.u32 s18;
	s20 =	sadd.s32 $0x200, s18  }
0x27: {  	[tilespmem:s15], [sflag:$0x1] =	stream.indirect.gather [hbm4b:s4+s14], $0x80, s19, s14, $0xb8;
	[tilespmem:$0x1D000] =	vst v63  }
0x28: {  	p0 =	sne.s32 s18, $0x9E00;
	_ =	swait.ge [sflag:s10], $0x4000  }
.Ltmp0:
0x29: {  	[sflag:s10] =	ssyncset.done $0x0;
	(pc) =	sbr.rel @p0 .LBB2_2-.Ltmp0, $4  }
0x2a: {  	s18 =	sadd.s32 $0x2800, s19;
	[sflag:s10] =	ssyncadd.s32 $0xFFFFC000  }
0x2b: {  	[spmem:s2] =	stream.indirect.scatter.add.f32 [tilespmem:s15], [sflag:$0x1], $0x80, s18, s14, $0xb8;
	[tilespmem:$0x1D000] =	vst v63  }
0x2c: {  	_ =	swait.ge [sflag:s10], $0x4000  }
0x2d: {  	s18 =	smov.u32 s20;
	[sflag:s10] =	ssyncset.done $0x0  }
0x2e: {  	s17 =	sshra.s32 s17, $0x2;
	[sflag:s10] =	ssyncadd.s32 $0xFFFFC000  }
0x2f: {  	[tilespmem:s15], [sflag:$0x1] =	stream.indirect.gather [hbm4b:s4+s14], $0x80, s17, s14, $0xb8;
	[tilespmem:$0x1D000] =	vst v63  }
0x30: {  	_ =	swait.ge [sflag:s10], $0x4000  }
0x31: {  	[sflag:s10] =	ssyncset.done $0x0  }
0x32: {  	s17 =	sadd.s32 $0x2800, s17;
	[sflag:s10] =	ssyncadd.s32 $0xFFFFC000  }
0x33: {  	[spmem:s2] =	stream.indirect.scatter.add.f32 [tilespmem:s15], [sflag:$0x1], $0x80, s17, s14, $0xb8;
	[tilespmem:$0x1D000] =	vst v63  }
0x34: {  	_ =	swait.ge [sflag:s10], $0x4000  }
0x35: {  	s16 =	sadd.s32 $0x1, s16;
	[sflag:s10] =	ssyncset.done $0x0  }
0x36: {  	p0 =	sne.s32 s16, s9;
	[sflag:s10] =	ssyncadd.s32 $0xFFFFC000  }
.Ltmp1:
0x37: {  	[bflag:$0x0] =	sbarrier.arrive $0xFFFF;
	(pc) =	sbr.rel @p0 .LBB2_1-.Ltmp1, $4  }
0x38: {  	[hbm:s8], [sflag:s12] =	dma.local [spmem:s13], $0x2800  }
0x39: {  	_ =	swait.ge [sflag:s10], $0x2800  }
0x3a: {  	[sflag:s10] =	ssyncset.done $0x0  }
0x3b: {  	[sflag:s10] =	ssyncadd.s32 $0xFFFFD800  }
0x3c: {  	_ =	sfence.sel $0x180000  }
0x3d: {  	[bflag:$0x0] =	sbarrier.arrive $0xFFFF  }
0x3e: {  	p0 =	sne.s32 s1, $0x0;
	_ =	strace $0x90000050  }
0x3f: {  	s0 =	sadd.s32 @!p0 $0x100000, s0;
	[bflag:$0x2] =	sbarrier.arrive $0xFFFF  }
0x40: {  	[sflag:s0] =	ssyncadd.tile.s32 @!p0 $0x1;
	_ =	shalt  }
.Lfunc_end2:
_tile_overlayer_lowered:
.L_overlay_start_2:
0x41: {  	(tag) =	ssettag $0x2  }
0x42: {  	s0 =	rddreg [dreg:$0x0];
	s2 =	stileid.u32  }
0x43: {  	s1 =	rddreg [dreg:$0x1];
	p0 =	sne.s32 s2, $0x0  }
0x44: {  	s3 =	rddreg [dreg:$0x2];
	[bflag:$0x3] =	sbarrier.arrive $0xFFFF;
	s2 =	simm.s32 @!p0 $0x1C01  }
0x45: {  	[timem:s3], [sflag:s2] =	dma.local @!p0 [hbm:s0], s1  }
0x46: {  	s0 =	simm.s32 @!p0 $0x1  }
0x47: {  	_ =	swait.ge @!p0 [sflag:s0], s1  }
0x48: {  	s1 =	ssub.s32 @!p0 $0x0, s1;
	[sflag:s0] =	ssyncset.done @!p0 $0x0  }
0x49: {  	[sflag:s0] =	ssyncadd.s32 @!p0 s1  }
0x4a: {  	[bflag:$0x3] =	sbarrier.arrive $0xFFFF  }
0x4b: {  	_ =	shalt  }

</sc_bundles>
